<compile_context>
chip_gen: v7x
topology: tpu7x:2x2x1
jax: 0.10.2.dev20260603
libtpu: 0.0.44.dev20260713+nightly
codegen_flags: <defaults>
</compile_context>

<pallas_src>
import functools

import numpy as np
import jax
import jax.numpy as jnp
from jax import lax
from jax.experimental import pallas as pl
from jax.experimental.pallas import tpu as pltpu
from jax.experimental.pallas import tpu_sc as plsc

D_MODEL = 2048
ROT_DIM = 64

_NC = 2
_NS = 16
_NW = _NC * _NS

_CHUNK = 16


_NBUF = 3


def _emb_gather_body(table_hbm, idx_hbm, out_hbm, idx_v,
                     rows0, rows1, rows2, gsem0, gsem1, gsem2,
                     osem0, osem1, osem2):
    wid = lax.axis_index("s") * _NC + lax.axis_index("c")
    r_per_w = idx_v.shape[0]
    nchunk = r_per_w // _CHUNK
    b = wid // (_NW // 2)
    sblk = wid % (_NW // 2)
    pltpu.sync_copy(idx_hbm.at[b, pl.ds(sblk * r_per_w, r_per_w)], idx_v)
    bufs = (rows0, rows1, rows2)
    gsems = (gsem0, gsem1, gsem2)
    osems = (osem0, osem1, osem2)
    ndt = D_MODEL // 128
    has_writes = [False] * _NBUF
    g = pltpu.async_copy(table_hbm.at[idx_v.at[pl.ds(0, _CHUNK)]], bufs[0], gsems[0])
    for c in range(nchunk):
        cur, nxt = c % _NBUF, (c + 1) % _NBUF
        if c + 1 < nchunk:
            if has_writes[nxt]:
                pltpu.make_async_copy(
                    table_hbm.at[pl.ds(0, _CHUNK)], bufs[nxt], osems[nxt]).wait()
                has_writes[nxt] = False
            g_next = pltpu.async_copy(
                table_hbm.at[idx_v.at[pl.ds((c + 1) * _CHUNK, _CHUNK)]],
                bufs[nxt], gsems[nxt])
        g.wait()
        if c + 1 < nchunk:
            g = g_next
        s0 = sblk * r_per_w + c * _CHUNK
        buf_c, osem_c = bufs[cur], osems[cur]

        def _write(dt, _, buf=buf_c, sem=osem_c, s0=s0, b=b):
            pltpu.async_copy(
                buf.at[:, pl.ds(dt * 128, 128)],
                out_hbm.at[pl.ds(s0, _CHUNK), dt, b, :],
                sem,
            )
            return _

        lax.fori_loop(0, ndt, _write, 0)
        has_writes[cur] = True
    for r in range(_NBUF):
        if has_writes[r]:
            pltpu.make_async_copy(
                table_hbm.at[pl.ds(0, _CHUNK)], bufs[r], osems[r]).wait()


def _emb_gather(emb_table, input_ids):
    bsz, seq = input_ids.shape
    rows = bsz * seq
    r_per_w = rows // _NW
    mesh = plsc.VectorSubcoreMesh(core_axis_name="c", subcore_axis_name="s")
    k = functools.partial(
        pl.kernel,
        mesh=mesh,
        out_type=jax.ShapeDtypeStruct((seq, D_MODEL // 128, bsz, 128), jnp.float32),
        scratch_types=[
            pltpu.VMEM((r_per_w,), jnp.int32),
            pltpu.VMEM((_CHUNK, D_MODEL), jnp.float32),
            pltpu.VMEM((_CHUNK, D_MODEL), jnp.float32),
            pltpu.VMEM((_CHUNK, D_MODEL), jnp.float32),
            pltpu.SemaphoreType.DMA,
            pltpu.SemaphoreType.DMA,
            pltpu.SemaphoreType.DMA,
            pltpu.SemaphoreType.DMA,
            pltpu.SemaphoreType.DMA,
            pltpu.SemaphoreType.DMA,
        ],
    )(_emb_gather_body)
    out4 = k(emb_table, input_ids)
    return out4.transpose(0, 2, 1, 3).reshape(seq, bsz, D_MODEL)


_BI = 256


def _mask_body(am_row_ref, am_col_ref, mask_ref):
    ib = pl.program_id(0)
    bsz, _, bi, s = mask_ref.shape

    row_ids = ib * bi + lax.broadcasted_iota(jnp.int32, (bi, s), 0)
    col_ids = lax.broadcasted_iota(jnp.int32, (bi, s), 1)
    gt8 = (col_ids > row_ids).astype(jnp.int8)
    for b in range(bsz):
        npc8 = (am_col_ref[b] == 0).astype(jnp.int8)
        pr8 = (am_row_ref[:, b:b + 1] == 1).astype(jnp.int8)
        mask_ref[b, 0] = pr8 & (gt8 | npc8)


def _rot_body(theta_ref, rot_ref):
    nk, nst, _, nsl = rot_ref.shape
    st = lax.broadcasted_iota(jnp.int32, (nk, nst, nsl), 1)
    sl = lax.broadcasted_iota(jnp.int32, (nk, nst, nsl), 2)
    pos = (st * nsl + sl).astype(jnp.float32)
    angle = pos * theta_ref[...][:, None, :]
    rot_ref[:, :, 0, :] = jnp.cos(angle)
    rot_ref[:, :, 1, :] = jnp.sin(angle)


def _mask_and_rotary(attention_mask, seq):
    bsz = attention_mask.shape[0]
    nk = ROT_DIM // 2
    th = 1.0 / (10000.0 ** (np.arange(0, ROT_DIM, 2, dtype=np.float32) / ROT_DIM))
    theta = jnp.asarray(np.repeat(th[:, None], 128, axis=1))
    am_row = attention_mask.T
    mask = pl.pallas_call(
        _mask_body,
        grid=(seq // _BI,),
        in_specs=[
            pl.BlockSpec((_BI, bsz), lambda i: (i, 0)),
            pl.BlockSpec((bsz, 1, seq), lambda i: (0, 0, 0)),
        ],
        out_specs=pl.BlockSpec((bsz, 1, _BI, seq), lambda i: (0, 0, i, 0)),
        out_shape=jax.ShapeDtypeStruct((bsz, 1, seq, seq), jnp.int8),
    )(am_row, attention_mask.reshape(bsz, 1, seq))
    rot4 = pl.pallas_call(
        _rot_body,
        out_shape=jax.ShapeDtypeStruct((nk, seq // 128, 2, 128), jnp.float32),
    )(theta)
    rot = rot4.transpose(1, 3, 0, 2).reshape(1, seq, nk, 2)
    return mask.astype(jnp.bool_), rot


def kernel(input_ids, attention_mask, emb_table):
    b, s = input_ids.shape
    hidden_states = _emb_gather(emb_table, input_ids)
    mask, rotary_pos_emb = _mask_and_rotary(attention_mask, s)
    return hidden_states, mask, rotary_pos_emb

# --- scband reference (transcript-rebuilt; emitter-appended) ---
"""Pipeline reference for scband-chat-glmembeddings-29334626632496 (READ-ONLY COPY).

The authoritative reference and input builder live on the scoring server;
editing this copy changes nothing except your own understanding.
"""

import jax, jax.numpy as jnp
import numpy as np

VOCAB = 65024
D_MODEL = 2048
BATCH = 2
SEQ = 2048
MAX_SEQ = 32768
ROT_DIM = 64  # kv_channels // 2 for ChatGLM2


def setup_inputs(seed: int = 0):
    key = jax.random.key(seed)
    k1, k2, k3 = jax.random.split(key, 3)
    input_ids = jax.random.randint(k1, (BATCH, SEQ), 0, VOCAB, dtype=jnp.int32)
    # padding mask with some zeros so `not attention_mask.all()` branch is taken
    attention_mask = jax.random.randint(k2, (BATCH, SEQ), 0, 2, dtype=jnp.int32)
    emb_table = jax.random.normal(k3, (VOCAB, D_MODEL), dtype=jnp.float32) * 0.02
    return {"input_ids": input_ids, "attention_mask": attention_mask, "emb_table": emb_table}


def _rotary_cache(seq_len):
    theta = 1.0 / (10000.0 ** (jnp.arange(0, ROT_DIM, 2, dtype=jnp.float32) / ROT_DIM))
    seq_idx = jnp.arange(seq_len, dtype=jnp.float32)
    idx_theta = jnp.outer(seq_idx, theta)  # [seq_len, ROT_DIM//2]
    return jnp.stack([jnp.cos(idx_theta), jnp.sin(idx_theta)], axis=-1)  # [seq_len, ROT_DIM//2, 2]


def reference(input_ids, attention_mask, emb_table):
    b, s = input_ids.shape
    # embedding lookup, then [B,S,D] -> [S,B,D]
    inputs_embeds = jnp.take(emb_table, input_ids, axis=0)
    hidden_states = jnp.transpose(inputs_embeds, (1, 0, 2))
    # get_masks (ChatGLM2 style, no past_key_values)
    pm = attention_mask.astype(jnp.float32)
    full = jnp.broadcast_to(jnp.tril(jnp.ones((s, s), dtype=jnp.float32))[None], (b, s, s))
    full = full * pm[:, None, :]
    full = full - (pm[:, :, None] - 1.0)
    full_attention_mask = (full < 0.5)[:, None, :, :]  # bool [B,1,S,S]
    # rotary_pos_emb(self.seq_length)[None, :seq_length]
    cache = _rotary_cache(MAX_SEQ)
    rotary_pos_emb = cache[None, :s]  # [1, S, ROT_DIM//2, 2]
    return hidden_states, full_attention_mask, rotary_pos_emb

if __name__ == "__main__":
    import jax
    _d = setup_inputs()
    print(jax.jit(kernel)(*tuple(_d.values())))

</pallas_src>

<mosaic_0001>
#map = affine_map<(d0, d1) -> (0, 0)>
#map1 = affine_map<(d0, d1) -> (0, 0, 0, 0)>
module attributes {stable_mosaic.version = 14 : i64} {
  func.func @_emb_gather_body(%arg0: i32, %arg1: i32, %arg2: memref<65024x2048xf32, #tpu.memory_space<hbm>>, %arg3: memref<2x2048xi32, #tpu.memory_space<hbm>>, %arg4: memref<2048x16x2x128xf32, #tpu.memory_space<hbm>>, %arg5: memref<128xi32, #tpu.memory_space<vmem>>, %arg6: memref<16x2048xf32, #tpu.memory_space<vmem>>, %arg7: memref<16x2048xf32, #tpu.memory_space<vmem>>, %arg8: memref<16x2048xf32, #tpu.memory_space<vmem>>, %arg9: memref<!tpu.dma_semaphore, #tpu.memory_space<semaphore_mem>>, %arg10: memref<!tpu.dma_semaphore, #tpu.memory_space<semaphore_mem>>, %arg11: memref<!tpu.dma_semaphore, #tpu.memory_space<semaphore_mem>>, %arg12: memref<!tpu.dma_semaphore, #tpu.memory_space<semaphore_mem>>, %arg13: memref<!tpu.dma_semaphore, #tpu.memory_space<semaphore_mem>>, %arg14: memref<!tpu.dma_semaphore, #tpu.memory_space<semaphore_mem>>) attributes {dimension_semantics = [#tpu.dimension_semantics<core_parallel>, #tpu.dimension_semantics<subcore_parallel>], iteration_bounds = array<i64: 2, 16>, scalar_prefetch = 0 : i64, scratch_operands = 10 : i64, tpu.core_type = #tpu.core_type<sc_vector_subcore>, window_params = [{transform_indices = #map}, {transform_indices = #map}, {transform_indices = #map1}]} {
    %mul3A = arith.constant 2 : i32
    %mul3A_0 = arith.muli %arg1, %mul3A : i32
    %add3A = arith.addi %mul3A_0, %arg0 : i32
    %jit3A = arith.constant 16 : i32
    %div3A = arith.divsi %add3A, %jit3A : i32
    %sign3A = arith.constant 0 : i32
    %sign3A_1 = arith.cmpi sgt, %add3A, %sign3A : i32
    %sign3A_2 = arith.extui %sign3A_1 : i1 to i32
    %sign3A_3 = arith.constant 0 : i32
    %sign3A_4 = arith.cmpi slt, %add3A, %sign3A_3 : i32
    %sign3A_5 = arith.extui %sign3A_4 : i1 to i32
    %sign3A_6 = arith.subi %sign3A_2, %sign3A_5 : i32
    %sign3A_7 = arith.constant 0 : i32
    %sign3A_8 = arith.cmpi sgt, %jit3A, %sign3A_7 : i32
    %sign3A_9 = arith.extui %sign3A_8 : i1 to i32
    %sign3A_10 = arith.constant 0 : i32
    %sign3A_11 = arith.cmpi slt, %jit3A, %sign3A_10 : i32
    %sign3A_12 = arith.extui %sign3A_11 : i1 to i32
    %sign3A_13 = arith.subi %sign3A_9, %sign3A_12 : i32
    %ne3A = arith.cmpi ne, %sign3A_6, %sign3A_13 : i32
    %rem3A = arith.remsi %add3A, %jit3A : i32
    %ne3A_14 = arith.constant 0 : i32
    %ne3A_15 = arith.cmpi ne, %rem3A, %ne3A_14 : i32
    %and3A = arith.andi %ne3A, %ne3A_15 : i1
    %sub3A = arith.constant 1 : i32
    %sub3A_16 = arith.subi %div3A, %sub3A : i32
    %select_n3A = arith.select %and3A, %sub3A_16, %div3A : i32
    %jit3A_17 = arith.constant 16 : i32
    %eq3A = arith.constant 0 : i32
    %eq3A_18 = arith.cmpi eq, %jit3A_17, %eq3A : i32
    %jit3A_19 = arith.constant 1 : i32
    %select_n3A_20 = arith.select %eq3A_18, %jit3A_19, %jit3A_17 : i32
    %rem3A_21 = arith.remsi %add3A, %select_n3A_20 : i32
    %ne3A_22 = arith.constant 0 : i32
    %ne3A_23 = arith.cmpi ne, %rem3A_21, %ne3A_22 : i32
    %lt3A = arith.constant 0 : i32
    %lt3A_24 = arith.cmpi slt, %rem3A_21, %lt3A : i32
    %lt3A_25 = arith.constant 0 : i32
    %lt3A_26 = arith.cmpi slt, %select_n3A_20, %lt3A_25 : i32
    %ne3A_27 = arith.xori %lt3A_24, %lt3A_26 : i1
    %and3A_28 = arith.andi %ne3A_27, %ne3A_23 : i1
    %add3A_29 = arith.addi %rem3A_21, %select_n3A_20 : i32
    %select_n3A_30 = arith.select %and3A_28, %add3A_29, %rem3A_21 : i32
    %mul3A_31 = arith.constant 128 : i32
    %mul3A_32 = arith.muli %select_n3A_30, %mul3A_31 : i32
    "tpu.region"() ({
      %run_scoped3A = tpu.sem_alloc : memref<!tpu.dma_semaphore, #tpu.memory_space<semaphore_mem>>
      %dma_start3A_238 = tpu.memref_slice %arg3[%select_n3A, %mul3A_32] : memref<2x2048xi32, #tpu.memory_space<hbm>> -> memref<1x128xi32, #tpu.memory_space<hbm>>
      %dma_start3A_239 = tpu.memref_squeeze %dma_start3A_238 : memref<1x128xi32, #tpu.memory_space<hbm>> -> memref<128xi32, #tpu.memory_space<hbm>>
      %dma_start3A_240 = tpu.memref_slice %arg3[%select_n3A, %mul3A_32] : memref<2x2048xi32, #tpu.memory_space<hbm>> -> memref<1x128xi32, #tpu.memory_space<hbm>>
      %dma_start3A_241 = tpu.memref_squeeze %dma_start3A_240 : memref<1x128xi32, #tpu.memory_space<hbm>> -> memref<128xi32, #tpu.memory_space<hbm>>
      tpu.enqueue_dma source(%dma_start3A_241 : memref<128xi32, #tpu.memory_space<hbm>>) target(%arg5 : memref<128xi32, #tpu.memory_space<vmem>>) target_semaphore(%run_scoped3A : memref<!tpu.dma_semaphore, #tpu.memory_space<semaphore_mem>>)
      %dma_wait3A_242 = tpu.memref_slice %arg3[%select_n3A, %mul3A_32] : memref<2x2048xi32, #tpu.memory_space<hbm>> -> memref<1x128xi32, #tpu.memory_space<hbm>>
      %dma_wait3A_243 = tpu.memref_squeeze %dma_wait3A_242 : memref<1x128xi32, #tpu.memory_space<hbm>> -> memref<128xi32, #tpu.memory_space<hbm>>
      %dma_wait3A_244 = tpu.memref_slice %arg3[%select_n3A, %mul3A_32] : memref<2x2048xi32, #tpu.memory_space<hbm>> -> memref<1x128xi32, #tpu.memory_space<hbm>>
      %dma_wait3A_245 = tpu.memref_squeeze %dma_wait3A_244 : memref<1x128xi32, #tpu.memory_space<hbm>> -> memref<128xi32, #tpu.memory_space<hbm>>
      tpu.wait_dma2 semaphore(%run_scoped3A : memref<!tpu.dma_semaphore, #tpu.memory_space<semaphore_mem>>) src(%dma_wait3A_245 : memref<128xi32, #tpu.memory_space<hbm>>) dst(%arg5 : memref<128xi32, #tpu.memory_space<vmem>>)
      tpu.yield
    }) : () -> ()
    %dma_start3A = arith.constant 0 : i32
    %dma_start3A_33 = tpu.memref_slice %arg5[%dma_start3A] : memref<128xi32, #tpu.memory_space<vmem>> -> memref<16xi32, #tpu.memory_space<vmem>>
    %dma_start3A_34 = arith.constant 0 : i32
    %dma_start3A_35 = arith.constant 0 : i32
    %dma_start3A_36 = tpu.memref_slice %arg2[%dma_start3A_34, %dma_start3A_35] : memref<65024x2048xf32, #tpu.memory_space<hbm>> -> memref<65024x2048xf32, #tpu.memory_space<hbm>>
    tpu.enqueue_indirect_dma source(%dma_start3A_36 : memref<65024x2048xf32, #tpu.memory_space<hbm>>) target(%arg6 : memref<16x2048xf32, #tpu.memory_space<vmem>>) offsets(%dma_start3A_33 : memref<16xi32, #tpu.memory_space<vmem>>) semaphore(%arg9 : memref<!tpu.dma_semaphore, #tpu.memory_space<semaphore_mem>>)
    %dma_start3A_37 = arith.constant 16 : i32
    %dma_start3A_38 = tpu.memref_slice %arg5[%dma_start3A_37] : memref<128xi32, #tpu.memory_space<vmem>> -> memref<16xi32, #tpu.memory_space<vmem>>
    %dma_start3A_39 = arith.constant 0 : i32
    %dma_start3A_40 = arith.constant 0 : i32
    %dma_start3A_41 = tpu.memref_slice %arg2[%dma_start3A_39, %dma_start3A_40] : memref<65024x2048xf32, #tpu.memory_space<hbm>> -> memref<65024x2048xf32, #tpu.memory_space<hbm>>
    tpu.enqueue_indirect_dma source(%dma_start3A_41 : memref<65024x2048xf32, #tpu.memory_space<hbm>>) target(%arg7 : memref<16x2048xf32, #tpu.memory_space<vmem>>) offsets(%dma_start3A_38 : memref<16xi32, #tpu.memory_space<vmem>>) semaphore(%arg10 : memref<!tpu.dma_semaphore, #tpu.memory_space<semaphore_mem>>)
    %dma_wait3A = arith.constant 0 : i32
    %dma_wait3A_42 = tpu.memref_slice %arg5[%dma_wait3A] : memref<128xi32, #tpu.memory_space<vmem>> -> memref<16xi32, #tpu.memory_space<vmem>>
    %dma_wait3A_43 = arith.constant 0 : i32
    %dma_wait3A_44 = arith.constant 0 : i32
    %dma_wait3A_45 = tpu.memref_slice %arg2[%dma_wait3A_43, %dma_wait3A_44] : memref<65024x2048xf32, #tpu.memory_space<hbm>> -> memref<65024x2048xf32, #tpu.memory_space<hbm>>
    tpu.wait_indirect_dma semaphore(%arg9 : memref<!tpu.dma_semaphore, #tpu.memory_space<semaphore_mem>>) src(%dma_wait3A_45 : memref<65024x2048xf32, #tpu.memory_space<hbm>>) dst(%arg6 : memref<16x2048xf32, #tpu.memory_space<vmem>>)
    %mul3A_46 = arith.constant 128 : i32
    %mul3A_47 = arith.muli %select_n3A_30, %mul3A_46 : i32
    %add3A_48 = arith.constant 0 : i32
    %add3A_49 = arith.addi %mul3A_47, %add3A_48 : i32
    %scan3A = arith.constant 0 : i32
    %scan3A_50 = arith.constant 0 : i32
    %scan3A_51 = arith.constant 16 : i32
    %scan3A_52 = arith.addi %scan3A_50, %scan3A_51 : i32
    %scan3A_53 = arith.constant 1 : i32
    scf.for %scan3A_238 = %scan3A_50 to %scan3A_52 step %scan3A_53  : i32 {
      %mul3A_239 = arith.constant 128 : i32
      %mul3A_240 = arith.muli %scan3A_238, %mul3A_239 : i32
      %dma_start3A_241 = arith.constant 0 : i32
      %dma_start3A_242 = tpu.memref_slice %arg6[%dma_start3A_241, %mul3A_240] : memref<16x2048xf32, #tpu.memory_space<vmem>> -> memref<16x128xf32, #tpu.memory_space<vmem>>
      %dma_start3A_243 = arith.constant 0 : i32
      %dma_start3A_244 = tpu.memref_slice %arg4[%add3A_49, %scan3A_238, %select_n3A, %dma_start3A_243] : memref<2048x16x2x128xf32, #tpu.memory_space<hbm>> -> memref<16x1x1x128xf32, #tpu.memory_space<hbm>>
      %dma_start3A_245 = tpu.memref_squeeze %dma_start3A_244 : memref<16x1x1x128xf32, #tpu.memory_space<hbm>> -> memref<16x128xf32, #tpu.memory_space<hbm>>
      %dma_start3A_246 = arith.constant 0 : i32
      %dma_start3A_247 = tpu.memref_slice %arg4[%add3A_49, %scan3A_238, %select_n3A, %dma_start3A_246] : memref<2048x16x2x128xf32, #tpu.memory_space<hbm>> -> memref<16x1x1x128xf32, #tpu.memory_space<hbm>>
      %dma_start3A_248 = tpu.memref_squeeze %dma_start3A_247 : memref<16x1x1x128xf32, #tpu.memory_space<hbm>> -> memref<16x128xf32, #tpu.memory_space<hbm>>
      %dma_start3A_249 = arith.constant 0 : i32
      %dma_start3A_250 = tpu.memref_slice %arg6[%dma_start3A_249, %mul3A_240] : memref<16x2048xf32, #tpu.memory_space<vmem>> -> memref<16x128xf32, #tpu.memory_space<vmem>>
      tpu.enqueue_dma source(%dma_start3A_250 : memref<16x128xf32, #tpu.memory_space<vmem>>) target(%dma_start3A_248 : memref<16x128xf32, #tpu.memory_space<hbm>>) target_semaphore(%arg12 : memref<!tpu.dma_semaphore, #tpu.memory_space<semaphore_mem>>)
    }
    %scan3A_54 = arith.constant 16 : i32
    %dma_start3A_55 = arith.constant 32 : i32
    %dma_start3A_56 = tpu.memref_slice %arg5[%dma_start3A_55] : memref<128xi32, #tpu.memory_space<vmem>> -> memref<16xi32, #tpu.memory_space<vmem>>
    %dma_start3A_57 = arith.constant 0 : i32
    %dma_start3A_58 = arith.constant 0 : i32
    %dma_start3A_59 = tpu.memref_slice %arg2[%dma_start3A_57, %dma_start3A_58] : memref<65024x2048xf32, #tpu.memory_space<hbm>> -> memref<65024x2048xf32, #tpu.memory_space<hbm>>
    tpu.enqueue_indirect_dma source(%dma_start3A_59 : memref<65024x2048xf32, #tpu.memory_space<hbm>>) target(%arg8 : memref<16x2048xf32, #tpu.memory_space<vmem>>) offsets(%dma_start3A_56 : memref<16xi32, #tpu.memory_space<vmem>>) semaphore(%arg11 : memref<!tpu.dma_semaphore, #tpu.memory_space<semaphore_mem>>)
    %dma_wait3A_60 = arith.constant 16 : i32
    %dma_wait3A_61 = tpu.memref_slice %arg5[%dma_wait3A_60] : memref<128xi32, #tpu.memory_space<vmem>> -> memref<16xi32, #tpu.memory_space<vmem>>
    %dma_wait3A_62 = arith.constant 0 : i32
    %dma_wait3A_63 = arith.constant 0 : i32
    %dma_wait3A_64 = tpu.memref_slice %arg2[%dma_wait3A_62, %dma_wait3A_63] : memref<65024x2048xf32, #tpu.memory_space<hbm>> -> memref<65024x2048xf32, #tpu.memory_space<hbm>>
    tpu.wait_indirect_dma semaphore(%arg10 : memref<!tpu.dma_semaphore, #tpu.memory_space<semaphore_mem>>) src(%dma_wait3A_64 : memref<65024x2048xf32, #tpu.memory_space<hbm>>) dst(%arg7 : memref<16x2048xf32, #tpu.memory_space<vmem>>)
    %mul3A_65 = arith.constant 128 : i32
    %mul3A_66 = arith.muli %select_n3A_30, %mul3A_65 : i32
    %add3A_67 = arith.constant 16 : i32
    %add3A_68 = arith.addi %mul3A_66, %add3A_67 : i32
    %scan3A_69 = arith.constant 0 : i32
    %scan3A_70 = arith.constant 0 : i32
    %scan3A_71 = arith.constant 16 : i32
    %scan3A_72 = arith.addi %scan3A_70, %scan3A_71 : i32
    %scan3A_73 = arith.constant 1 : i32
    scf.for %scan3A_238 = %scan3A_70 to %scan3A_72 step %scan3A_73  : i32 {
      %mul3A_239 = arith.constant 128 : i32
      %mul3A_240 = arith.muli %scan3A_238, %mul3A_239 : i32
      %dma_start3A_241 = arith.constant 0 : i32
      %dma_start3A_242 = tpu.memref_slice %arg7[%dma_start3A_241, %mul3A_240] : memref<16x2048xf32, #tpu.memory_space<vmem>> -> memref<16x128xf32, #tpu.memory_space<vmem>>
      %dma_start3A_243 = arith.constant 0 : i32
      %dma_start3A_244 = tpu.memref_slice %arg4[%add3A_68, %scan3A_238, %select_n3A, %dma_start3A_243] : memref<2048x16x2x128xf32, #tpu.memory_space<hbm>> -> memref<16x1x1x128xf32, #tpu.memory_space<hbm>>
      %dma_start3A_245 = tpu.memref_squeeze %dma_start3A_244 : memref<16x1x1x128xf32, #tpu.memory_space<hbm>> -> memref<16x128xf32, #tpu.memory_space<hbm>>
      %dma_start3A_246 = arith.constant 0 : i32
      %dma_start3A_247 = tpu.memref_slice %arg4[%add3A_68, %scan3A_238, %select_n3A, %dma_start3A_246] : memref<2048x16x2x128xf32, #tpu.memory_space<hbm>> -> memref<16x1x1x128xf32, #tpu.memory_space<hbm>>
      %dma_start3A_248 = tpu.memref_squeeze %dma_start3A_247 : memref<16x1x1x128xf32, #tpu.memory_space<hbm>> -> memref<16x128xf32, #tpu.memory_space<hbm>>
      %dma_start3A_249 = arith.constant 0 : i32
      %dma_start3A_250 = tpu.memref_slice %arg7[%dma_start3A_249, %mul3A_240] : memref<16x2048xf32, #tpu.memory_space<vmem>> -> memref<16x128xf32, #tpu.memory_space<vmem>>
      tpu.enqueue_dma source(%dma_start3A_250 : memref<16x128xf32, #tpu.memory_space<vmem>>) target(%dma_start3A_248 : memref<16x128xf32, #tpu.memory_space<hbm>>) target_semaphore(%arg13 : memref<!tpu.dma_semaphore, #tpu.memory_space<semaphore_mem>>)
    }
    %scan3A_74 = arith.constant 16 : i32
    %dma_wait3A_75 = arith.constant 0 : i32
    %dma_wait3A_76 = arith.constant 0 : i32
    %dma_wait3A_77 = tpu.memref_slice %arg2[%dma_wait3A_75, %dma_wait3A_76] : memref<65024x2048xf32, #tpu.memory_space<hbm>> -> memref<16x2048xf32, #tpu.memory_space<hbm>>
    %dma_wait3A_78 = arith.constant 0 : i32
    %dma_wait3A_79 = arith.constant 0 : i32
    %dma_wait3A_80 = tpu.memref_slice %arg2[%dma_wait3A_78, %dma_wait3A_79] : memref<65024x2048xf32, #tpu.memory_space<hbm>> -> memref<16x2048xf32, #tpu.memory_space<hbm>>
    tpu.wait_dma2 semaphore(%arg12 : memref<!tpu.dma_semaphore, #tpu.memory_space<semaphore_mem>>) src(%dma_wait3A_80 : memref<16x2048xf32, #tpu.memory_space<hbm>>) dst(%arg6 : memref<16x2048xf32, #tpu.memory_space<vmem>>)
    %dma_start3A_81 = arith.constant 48 : i32
    %dma_start3A_82 = tpu.memref_slice %arg5[%dma_start3A_81] : memref<128xi32, #tpu.memory_space<vmem>> -> memref<16xi32, #tpu.memory_space<vmem>>
    %dma_start3A_83 = arith.constant 0 : i32
    %dma_start3A_84 = arith.constant 0 : i32
    %dma_start3A_85 = tpu.memref_slice %arg2[%dma_start3A_83, %dma_start3A_84] : memref<65024x2048xf32, #tpu.memory_space<hbm>> -> memref<65024x2048xf32, #tpu.memory_space<hbm>>
    tpu.enqueue_indirect_dma source(%dma_start3A_85 : memref<65024x2048xf32, #tpu.memory_space<hbm>>) target(%arg6 : memref<16x2048xf32, #tpu.memory_space<vmem>>) offsets(%dma_start3A_82 : memref<16xi32, #tpu.memory_space<vmem>>) semaphore(%arg9 : memref<!tpu.dma_semaphore, #tpu.memory_space<semaphore_mem>>)
    %dma_wait3A_86 = arith.constant 32 : i32
    %dma_wait3A_87 = tpu.memref_slice %arg5[%dma_wait3A_86] : memref<128xi32, #tpu.memory_space<vmem>> -> memref<16xi32, #tpu.memory_space<vmem>>
    %dma_wait3A_88 = arith.constant 0 : i32
    %dma_wait3A_89 = arith.constant 0 : i32
    %dma_wait3A_90 = tpu.memref_slice %arg2[%dma_wait3A_88, %dma_wait3A_89] : memref<65024x2048xf32, #tpu.memory_space<hbm>> -> memref<65024x2048xf32, #tpu.memory_space<hbm>>
    tpu.wait_indirect_dma semaphore(%arg11 : memref<!tpu.dma_semaphore, #tpu.memory_space<semaphore_mem>>) src(%dma_wait3A_90 : memref<65024x2048xf32, #tpu.memory_space<hbm>>) dst(%arg8 : memref<16x2048xf32, #tpu.memory_space<vmem>>)
    %mul3A_91 = arith.constant 128 : i32
    %mul3A_92 = arith.muli %select_n3A_30, %mul3A_91 : i32
    %add3A_93 = arith.constant 32 : i32
    %add3A_94 = arith.addi %mul3A_92, %add3A_93 : i32
    %scan3A_95 = arith.constant 0 : i32
    %scan3A_96 = arith.constant 0 : i32
    %scan3A_97 = arith.constant 16 : i32
    %scan3A_98 = arith.addi %scan3A_96, %scan3A_97 : i32
    %scan3A_99 = arith.constant 1 : i32
    scf.for %scan3A_238 = %scan3A_96 to %scan3A_98 step %scan3A_99  : i32 {
      %mul3A_239 = arith.constant 128 : i32
      %mul3A_240 = arith.muli %scan3A_238, %mul3A_239 : i32
      %dma_start3A_241 = arith.constant 0 : i32
      %dma_start3A_242 = tpu.memref_slice %arg8[%dma_start3A_241, %mul3A_240] : memref<16x2048xf32, #tpu.memory_space<vmem>> -> memref<16x128xf32, #tpu.memory_space<vmem>>
      %dma_start3A_243 = arith.constant 0 : i32
      %dma_start3A_244 = tpu.memref_slice %arg4[%add3A_94, %scan3A_238, %select_n3A, %dma_start3A_243] : memref<2048x16x2x128xf32, #tpu.memory_space<hbm>> -> memref<16x1x1x128xf32, #tpu.memory_space<hbm>>
      %dma_start3A_245 = tpu.memref_squeeze %dma_start3A_244 : memref<16x1x1x128xf32, #tpu.memory_space<hbm>> -> memref<16x128xf32, #tpu.memory_space<hbm>>
      %dma_start3A_246 = arith.constant 0 : i32
      %dma_start3A_247 = tpu.memref_slice %arg4[%add3A_94, %scan3A_238, %select_n3A, %dma_start3A_246] : memref<2048x16x2x128xf32, #tpu.memory_space<hbm>> -> memref<16x1x1x128xf32, #tpu.memory_space<hbm>>
      %dma_start3A_248 = tpu.memref_squeeze %dma_start3A_247 : memref<16x1x1x128xf32, #tpu.memory_space<hbm>> -> memref<16x128xf32, #tpu.memory_space<hbm>>
      %dma_start3A_249 = arith.constant 0 : i32
      %dma_start3A_250 = tpu.memref_slice %arg8[%dma_start3A_249, %mul3A_240] : memref<16x2048xf32, #tpu.memory_space<vmem>> -> memref<16x128xf32, #tpu.memory_space<vmem>>
      tpu.enqueue_dma source(%dma_start3A_250 : memref<16x128xf32, #tpu.memory_space<vmem>>) target(%dma_start3A_248 : memref<16x128xf32, #tpu.memory_space<hbm>>) target_semaphore(%arg14 : memref<!tpu.dma_semaphore, #tpu.memory_space<semaphore_mem>>)
    }
    %scan3A_100 = arith.constant 16 : i32
    %dma_wait3A_101 = arith.constant 0 : i32
    %dma_wait3A_102 = arith.constant 0 : i32
    %dma_wait3A_103 = tpu.memref_slice %arg2[%dma_wait3A_101, %dma_wait3A_102] : memref<65024x2048xf32, #tpu.memory_space<hbm>> -> memref<16x2048xf32, #tpu.memory_space<hbm>>
    %dma_wait3A_104 = arith.constant 0 : i32
    %dma_wait3A_105 = arith.constant 0 : i32
    %dma_wait3A_106 = tpu.memref_slice %arg2[%dma_wait3A_104, %dma_wait3A_105] : memref<65024x2048xf32, #tpu.memory_space<hbm>> -> memref<16x2048xf32, #tpu.memory_space<hbm>>
    tpu.wait_dma2 semaphore(%arg13 : memref<!tpu.dma_semaphore, #tpu.memory_space<semaphore_mem>>) src(%dma_wait3A_106 : memref<16x2048xf32, #tpu.memory_space<hbm>>) dst(%arg7 : memref<16x2048xf32, #tpu.memory_space<vmem>>)
    %dma_start3A_107 = arith.constant 64 : i32
    %dma_start3A_108 = tpu.memref_slice %arg5[%dma_start3A_107] : memref<128xi32, #tpu.memory_space<vmem>> -> memref<16xi32, #tpu.memory_space<vmem>>
    %dma_start3A_109 = arith.constant 0 : i32
    %dma_start3A_110 = arith.constant 0 : i32
    %dma_start3A_111 = tpu.memref_slice %arg2[%dma_start3A_109, %dma_start3A_110] : memref<65024x2048xf32, #tpu.memory_space<hbm>> -> memref<65024x2048xf32, #tpu.memory_space<hbm>>
    tpu.enqueue_indirect_dma source(%dma_start3A_111 : memref<65024x2048xf32, #tpu.memory_space<hbm>>) target(%arg7 : memref<16x2048xf32, #tpu.memory_space<vmem>>) offsets(%dma_start3A_108 : memref<16xi32, #tpu.memory_space<vmem>>) semaphore(%arg10 : memref<!tpu.dma_semaphore, #tpu.memory_space<semaphore_mem>>)
    %dma_wait3A_112 = arith.constant 48 : i32
    %dma_wait3A_113 = tpu.memref_slice %arg5[%dma_wait3A_112] : memref<128xi32, #tpu.memory_space<vmem>> -> memref<16xi32, #tpu.memory_space<vmem>>
    %dma_wait3A_114 = arith.constant 0 : i32
    %dma_wait3A_115 = arith.constant 0 : i32
    %dma_wait3A_116 = tpu.memref_slice %arg2[%dma_wait3A_114, %dma_wait3A_115] : memref<65024x2048xf32, #tpu.memory_space<hbm>> -> memref<65024x2048xf32, #tpu.memory_space<hbm>>
    tpu.wait_indirect_dma semaphore(%arg9 : memref<!tpu.dma_semaphore, #tpu.memory_space<semaphore_mem>>) src(%dma_wait3A_116 : memref<65024x2048xf32, #tpu.memory_space<hbm>>) dst(%arg6 : memref<16x2048xf32, #tpu.memory_space<vmem>>)
    %mul3A_117 = arith.constant 128 : i32
    %mul3A_118 = arith.muli %select_n3A_30, %mul3A_117 : i32
    %add3A_119 = arith.constant 48 : i32
    %add3A_120 = arith.addi %mul3A_118, %add3A_119 : i32
    %scan3A_121 = arith.constant 0 : i32
    %scan3A_122 = arith.constant 0 : i32
    %scan3A_123 = arith.constant 16 : i32
    %scan3A_124 = arith.addi %scan3A_122, %scan3A_123 : i32
    %scan3A_125 = arith.constant 1 : i32
    scf.for %scan3A_238 = %scan3A_122 to %scan3A_124 step %scan3A_125  : i32 {
      %mul3A_239 = arith.constant 128 : i32
      %mul3A_240 = arith.muli %scan3A_238, %mul3A_239 : i32
      %dma_start3A_241 = arith.constant 0 : i32
      %dma_start3A_242 = tpu.memref_slice %arg6[%dma_start3A_241, %mul3A_240] : memref<16x2048xf32, #tpu.memory_space<vmem>> -> memref<16x128xf32, #tpu.memory_space<vmem>>
      %dma_start3A_243 = arith.constant 0 : i32
      %dma_start3A_244 = tpu.memref_slice %arg4[%add3A_120, %scan3A_238, %select_n3A, %dma_start3A_243] : memref<2048x16x2x128xf32, #tpu.memory_space<hbm>> -> memref<16x1x1x128xf32, #tpu.memory_space<hbm>>
      %dma_start3A_245 = tpu.memref_squeeze %dma_start3A_244 : memref<16x1x1x128xf32, #tpu.memory_space<hbm>> -> memref<16x128xf32, #tpu.memory_space<hbm>>
      %dma_start3A_246 = arith.constant 0 : i32
      %dma_start3A_247 = tpu.memref_slice %arg4[%add3A_120, %scan3A_238, %select_n3A, %dma_start3A_246] : memref<2048x16x2x128xf32, #tpu.memory_space<hbm>> -> memref<16x1x1x128xf32, #tpu.memory_space<hbm>>
      %dma_start3A_248 = tpu.memref_squeeze %dma_start3A_247 : memref<16x1x1x128xf32, #tpu.memory_space<hbm>> -> memref<16x128xf32, #tpu.memory_space<hbm>>
      %dma_start3A_249 = arith.constant 0 : i32
      %dma_start3A_250 = tpu.memref_slice %arg6[%dma_start3A_249, %mul3A_240] : memref<16x2048xf32, #tpu.memory_space<vmem>> -> memref<16x128xf32, #tpu.memory_space<vmem>>
      tpu.enqueue_dma source(%dma_start3A_250 : memref<16x128xf32, #tpu.memory_space<vmem>>) target(%dma_start3A_248 : memref<16x128xf32, #tpu.memory_space<hbm>>) target_semaphore(%arg12 : memref<!tpu.dma_semaphore, #tpu.memory_space<semaphore_mem>>)
    }
    %scan3A_126 = arith.constant 16 : i32
    %dma_wait3A_127 = arith.constant 0 : i32
    %dma_wait3A_128 = arith.constant 0 : i32
    %dma_wait3A_129 = tpu.memref_slice %arg2[%dma_wait3A_127, %dma_wait3A_128] : memref<65024x2048xf32, #tpu.memory_space<hbm>> -> memref<16x2048xf32, #tpu.memory_space<hbm>>
    %dma_wait3A_130 = arith.constant 0 : i32
    %dma_wait3A_131 = arith.constant 0 : i32
    %dma_wait3A_132 = tpu.memref_slice %arg2[%dma_wait3A_130, %dma_wait3A_131] : memref<65024x2048xf32, #tpu.memory_space<hbm>> -> memref<16x2048xf32, #tpu.memory_space<hbm>>
    tpu.wait_dma2 semaphore(%arg14 : memref<!tpu.dma_semaphore, #tpu.memory_space<semaphore_mem>>) src(%dma_wait3A_132 : memref<16x2048xf32, #tpu.memory_space<hbm>>) dst(%arg8 : memref<16x2048xf32, #tpu.memory_space<vmem>>)
    %dma_start3A_133 = arith.constant 80 : i32
    %dma_start3A_134 = tpu.memref_slice %arg5[%dma_start3A_133] : memref<128xi32, #tpu.memory_space<vmem>> -> memref<16xi32, #tpu.memory_space<vmem>>
    %dma_start3A_135 = arith.constant 0 : i32
    %dma_start3A_136 = arith.constant 0 : i32
    %dma_start3A_137 = tpu.memref_slice %arg2[%dma_start3A_135, %dma_start3A_136] : memref<65024x2048xf32, #tpu.memory_space<hbm>> -> memref<65024x2048xf32, #tpu.memory_space<hbm>>
    tpu.enqueue_indirect_dma source(%dma_start3A_137 : memref<65024x2048xf32, #tpu.memory_space<hbm>>) target(%arg8 : memref<16x2048xf32, #tpu.memory_space<vmem>>) offsets(%dma_start3A_134 : memref<16xi32, #tpu.memory_space<vmem>>) semaphore(%arg11 : memref<!tpu.dma_semaphore, #tpu.memory_space<semaphore_mem>>)
    %dma_wait3A_138 = arith.constant 64 : i32
    %dma_wait3A_139 = tpu.memref_slice %arg5[%dma_wait3A_138] : memref<128xi32, #tpu.memory_space<vmem>> -> memref<16xi32, #tpu.memory_space<vmem>>
    %dma_wait3A_140 = arith.constant 0 : i32
    %dma_wait3A_141 = arith.constant 0 : i32
    %dma_wait3A_142 = tpu.memref_slice %arg2[%dma_wait3A_140, %dma_wait3A_141] : memref<65024x2048xf32, #tpu.memory_space<hbm>> -> memref<65024x2048xf32, #tpu.memory_space<hbm>>
    tpu.wait_indirect_dma semaphore(%arg10 : memref<!tpu.dma_semaphore, #tpu.memory_space<semaphore_mem>>) src(%dma_wait3A_142 : memref<65024x2048xf32, #tpu.memory_space<hbm>>) dst(%arg7 : memref<16x2048xf32, #tpu.memory_space<vmem>>)
    %mul3A_143 = arith.constant 128 : i32
    %mul3A_144 = arith.muli %select_n3A_30, %mul3A_143 : i32
    %add3A_145 = arith.constant 64 : i32
    %add3A_146 = arith.addi %mul3A_144, %add3A_145 : i32
    %scan3A_147 = arith.constant 0 : i32
    %scan3A_148 = arith.constant 0 : i32
    %scan3A_149 = arith.constant 16 : i32
    %scan3A_150 = arith.addi %scan3A_148, %scan3A_149 : i32
    %scan3A_151 = arith.constant 1 : i32
    scf.for %scan3A_238 = %scan3A_148 to %scan3A_150 step %scan3A_151  : i32 {
      %mul3A_239 = arith.constant 128 : i32
      %mul3A_240 = arith.muli %scan3A_238, %mul3A_239 : i32
      %dma_start3A_241 = arith.constant 0 : i32
      %dma_start3A_242 = tpu.memref_slice %arg7[%dma_start3A_241, %mul3A_240] : memref<16x2048xf32, #tpu.memory_space<vmem>> -> memref<16x128xf32, #tpu.memory_space<vmem>>
      %dma_start3A_243 = arith.constant 0 : i32
      %dma_start3A_244 = tpu.memref_slice %arg4[%add3A_146, %scan3A_238, %select_n3A, %dma_start3A_243] : memref<2048x16x2x128xf32, #tpu.memory_space<hbm>> -> memref<16x1x1x128xf32, #tpu.memory_space<hbm>>
      %dma_start3A_245 = tpu.memref_squeeze %dma_start3A_244 : memref<16x1x1x128xf32, #tpu.memory_space<hbm>> -> memref<16x128xf32, #tpu.memory_space<hbm>>
      %dma_start3A_246 = arith.constant 0 : i32
      %dma_start3A_247 = tpu.memref_slice %arg4[%add3A_146, %scan3A_238, %select_n3A, %dma_start3A_246] : memref<2048x16x2x128xf32, #tpu.memory_space<hbm>> -> memref<16x1x1x128xf32, #tpu.memory_space<hbm>>
      %dma_start3A_248 = tpu.memref_squeeze %dma_start3A_247 : memref<16x1x1x128xf32, #tpu.memory_space<hbm>> -> memref<16x128xf32, #tpu.memory_space<hbm>>
      %dma_start3A_249 = arith.constant 0 : i32
      %dma_start3A_250 = tpu.memref_slice %arg7[%dma_start3A_249, %mul3A_240] : memref<16x2048xf32, #tpu.memory_space<vmem>> -> memref<16x128xf32, #tpu.memory_space<vmem>>
      tpu.enqueue_dma source(%dma_start3A_250 : memref<16x128xf32, #tpu.memory_space<vmem>>) target(%dma_start3A_248 : memref<16x128xf32, #tpu.memory_space<hbm>>) target_semaphore(%arg13 : memref<!tpu.dma_semaphore, #tpu.memory_space<semaphore_mem>>)
    }
    %scan3A_152 = arith.constant 16 : i32
    %dma_wait3A_153 = arith.constant 0 : i32
    %dma_wait3A_154 = arith.constant 0 : i32
    %dma_wait3A_155 = tpu.memref_slice %arg2[%dma_wait3A_153, %dma_wait3A_154] : memref<65024x2048xf32, #tpu.memory_space<hbm>> -> memref<16x2048xf32, #tpu.memory_space<hbm>>
    %dma_wait3A_156 = arith.constant 0 : i32
    %dma_wait3A_157 = arith.constant 0 : i32
    %dma_wait3A_158 = tpu.memref_slice %arg2[%dma_wait3A_156, %dma_wait3A_157] : memref<65024x2048xf32, #tpu.memory_space<hbm>> -> memref<16x2048xf32, #tpu.memory_space<hbm>>
    tpu.wait_dma2 semaphore(%arg12 : memref<!tpu.dma_semaphore, #tpu.memory_space<semaphore_mem>>) src(%dma_wait3A_158 : memref<16x2048xf32, #tpu.memory_space<hbm>>) dst(%arg6 : memref<16x2048xf32, #tpu.memory_space<vmem>>)
    %dma_start3A_159 = arith.constant 96 : i32
    %dma_start3A_160 = tpu.memref_slice %arg5[%dma_start3A_159] : memref<128xi32, #tpu.memory_space<vmem>> -> memref<16xi32, #tpu.memory_space<vmem>>
    %dma_start3A_161 = arith.constant 0 : i32
    %dma_start3A_162 = arith.constant 0 : i32
    %dma_start3A_163 = tpu.memref_slice %arg2[%dma_start3A_161, %dma_start3A_162] : memref<65024x2048xf32, #tpu.memory_space<hbm>> -> memref<65024x2048xf32, #tpu.memory_space<hbm>>
    tpu.enqueue_indirect_dma source(%dma_start3A_163 : memref<65024x2048xf32, #tpu.memory_space<hbm>>) target(%arg6 : memref<16x2048xf32, #tpu.memory_space<vmem>>) offsets(%dma_start3A_160 : memref<16xi32, #tpu.memory_space<vmem>>) semaphore(%arg9 : memref<!tpu.dma_semaphore, #tpu.memory_space<semaphore_mem>>)
    %dma_wait3A_164 = arith.constant 80 : i32
    %dma_wait3A_165 = tpu.memref_slice %arg5[%dma_wait3A_164] : memref<128xi32, #tpu.memory_space<vmem>> -> memref<16xi32, #tpu.memory_space<vmem>>
    %dma_wait3A_166 = arith.constant 0 : i32
    %dma_wait3A_167 = arith.constant 0 : i32
    %dma_wait3A_168 = tpu.memref_slice %arg2[%dma_wait3A_166, %dma_wait3A_167] : memref<65024x2048xf32, #tpu.memory_space<hbm>> -> memref<65024x2048xf32, #tpu.memory_space<hbm>>
    tpu.wait_indirect_dma semaphore(%arg11 : memref<!tpu.dma_semaphore, #tpu.memory_space<semaphore_mem>>) src(%dma_wait3A_168 : memref<65024x2048xf32, #tpu.memory_space<hbm>>) dst(%arg8 : memref<16x2048xf32, #tpu.memory_space<vmem>>)
    %mul3A_169 = arith.constant 128 : i32
    %mul3A_170 = arith.muli %select_n3A_30, %mul3A_169 : i32
    %add3A_171 = arith.constant 80 : i32
    %add3A_172 = arith.addi %mul3A_170, %add3A_171 : i32
    %scan3A_173 = arith.constant 0 : i32
    %scan3A_174 = arith.constant 0 : i32
    %scan3A_175 = arith.constant 16 : i32
    %scan3A_176 = arith.addi %scan3A_174, %scan3A_175 : i32
    %scan3A_177 = arith.constant 1 : i32
    scf.for %scan3A_238 = %scan3A_174 to %scan3A_176 step %scan3A_177  : i32 {
      %mul3A_239 = arith.constant 128 : i32
      %mul3A_240 = arith.muli %scan3A_238, %mul3A_239 : i32
      %dma_start3A_241 = arith.constant 0 : i32
      %dma_start3A_242 = tpu.memref_slice %arg8[%dma_start3A_241, %mul3A_240] : memref<16x2048xf32, #tpu.memory_space<vmem>> -> memref<16x128xf32, #tpu.memory_space<vmem>>
      %dma_start3A_243 = arith.constant 0 : i32
      %dma_start3A_244 = tpu.memref_slice %arg4[%add3A_172, %scan3A_238, %select_n3A, %dma_start3A_243] : memref<2048x16x2x128xf32, #tpu.memory_space<hbm>> -> memref<16x1x1x128xf32, #tpu.memory_space<hbm>>
      %dma_start3A_245 = tpu.memref_squeeze %dma_start3A_244 : memref<16x1x1x128xf32, #tpu.memory_space<hbm>> -> memref<16x128xf32, #tpu.memory_space<hbm>>
      %dma_start3A_246 = arith.constant 0 : i32
      %dma_start3A_247 = tpu.memref_slice %arg4[%add3A_172, %scan3A_238, %select_n3A, %dma_start3A_246] : memref<2048x16x2x128xf32, #tpu.memory_space<hbm>> -> memref<16x1x1x128xf32, #tpu.memory_space<hbm>>
      %dma_start3A_248 = tpu.memref_squeeze %dma_start3A_247 : memref<16x1x1x128xf32, #tpu.memory_space<hbm>> -> memref<16x128xf32, #tpu.memory_space<hbm>>
      %dma_start3A_249 = arith.constant 0 : i32
      %dma_start3A_250 = tpu.memref_slice %arg8[%dma_start3A_249, %mul3A_240] : memref<16x2048xf32, #tpu.memory_space<vmem>> -> memref<16x128xf32, #tpu.memory_space<vmem>>
      tpu.enqueue_dma source(%dma_start3A_250 : memref<16x128xf32, #tpu.memory_space<vmem>>) target(%dma_start3A_248 : memref<16x128xf32, #tpu.memory_space<hbm>>) target_semaphore(%arg14 : memref<!tpu.dma_semaphore, #tpu.memory_space<semaphore_mem>>)
    }
    %scan3A_178 = arith.constant 16 : i32
    %dma_wait3A_179 = arith.constant 0 : i32
    %dma_wait3A_180 = arith.constant 0 : i32
    %dma_wait3A_181 = tpu.memref_slice %arg2[%dma_wait3A_179, %dma_wait3A_180] : memref<65024x2048xf32, #tpu.memory_space<hbm>> -> memref<16x2048xf32, #tpu.memory_space<hbm>>
    %dma_wait3A_182 = arith.constant 0 : i32
    %dma_wait3A_183 = arith.constant 0 : i32
    %dma_wait3A_184 = tpu.memref_slice %arg2[%dma_wait3A_182, %dma_wait3A_183] : memref<65024x2048xf32, #tpu.memory_space<hbm>> -> memref<16x2048xf32, #tpu.memory_space<hbm>>
    tpu.wait_dma2 semaphore(%arg13 : memref<!tpu.dma_semaphore, #tpu.memory_space<semaphore_mem>>) src(%dma_wait3A_184 : memref<16x2048xf32, #tpu.memory_space<hbm>>) dst(%arg7 : memref<16x2048xf32, #tpu.memory_space<vmem>>)
    %dma_start3A_185 = arith.constant 112 : i32
    %dma_start3A_186 = tpu.memref_slice %arg5[%dma_start3A_185] : memref<128xi32, #tpu.memory_space<vmem>> -> memref<16xi32, #tpu.memory_space<vmem>>
    %dma_start3A_187 = arith.constant 0 : i32
    %dma_start3A_188 = arith.constant 0 : i32
    %dma_start3A_189 = tpu.memref_slice %arg2[%dma_start3A_187, %dma_start3A_188] : memref<65024x2048xf32, #tpu.memory_space<hbm>> -> memref<65024x2048xf32, #tpu.memory_space<hbm>>
    tpu.enqueue_indirect_dma source(%dma_start3A_189 : memref<65024x2048xf32, #tpu.memory_space<hbm>>) target(%arg7 : memref<16x2048xf32, #tpu.memory_space<vmem>>) offsets(%dma_start3A_186 : memref<16xi32, #tpu.memory_space<vmem>>) semaphore(%arg10 : memref<!tpu.dma_semaphore, #tpu.memory_space<semaphore_mem>>)
    %dma_wait3A_190 = arith.constant 96 : i32
    %dma_wait3A_191 = tpu.memref_slice %arg5[%dma_wait3A_190] : memref<128xi32, #tpu.memory_space<vmem>> -> memref<16xi32, #tpu.memory_space<vmem>>
    %dma_wait3A_192 = arith.constant 0 : i32
    %dma_wait3A_193 = arith.constant 0 : i32
    %dma_wait3A_194 = tpu.memref_slice %arg2[%dma_wait3A_192, %dma_wait3A_193] : memref<65024x2048xf32, #tpu.memory_space<hbm>> -> memref<65024x2048xf32, #tpu.memory_space<hbm>>
    tpu.wait_indirect_dma semaphore(%arg9 : memref<!tpu.dma_semaphore, #tpu.memory_space<semaphore_mem>>) src(%dma_wait3A_194 : memref<65024x2048xf32, #tpu.memory_space<hbm>>) dst(%arg6 : memref<16x2048xf32, #tpu.memory_space<vmem>>)
    %mul3A_195 = arith.constant 128 : i32
    %mul3A_196 = arith.muli %select_n3A_30, %mul3A_195 : i32
    %add3A_197 = arith.constant 96 : i32
    %add3A_198 = arith.addi %mul3A_196, %add3A_197 : i32
    %scan3A_199 = arith.constant 0 : i32
    %scan3A_200 = arith.constant 0 : i32
    %scan3A_201 = arith.constant 16 : i32
    %scan3A_202 = arith.addi %scan3A_200, %scan3A_201 : i32
    %scan3A_203 = arith.constant 1 : i32
    scf.for %scan3A_238 = %scan3A_200 to %scan3A_202 step %scan3A_203  : i32 {
      %mul3A_239 = arith.constant 128 : i32
      %mul3A_240 = arith.muli %scan3A_238, %mul3A_239 : i32
      %dma_start3A_241 = arith.constant 0 : i32
      %dma_start3A_242 = tpu.memref_slice %arg6[%dma_start3A_241, %mul3A_240] : memref<16x2048xf32, #tpu.memory_space<vmem>> -> memref<16x128xf32, #tpu.memory_space<vmem>>
      %dma_start3A_243 = arith.constant 0 : i32
      %dma_start3A_244 = tpu.memref_slice %arg4[%add3A_198, %scan3A_238, %select_n3A, %dma_start3A_243] : memref<2048x16x2x128xf32, #tpu.memory_space<hbm>> -> memref<16x1x1x128xf32, #tpu.memory_space<hbm>>
      %dma_start3A_245 = tpu.memref_squeeze %dma_start3A_244 : memref<16x1x1x128xf32, #tpu.memory_space<hbm>> -> memref<16x128xf32, #tpu.memory_space<hbm>>
      %dma_start3A_246 = arith.constant 0 : i32
      %dma_start3A_247 = tpu.memref_slice %arg4[%add3A_198, %scan3A_238, %select_n3A, %dma_start3A_246] : memref<2048x16x2x128xf32, #tpu.memory_space<hbm>> -> memref<16x1x1x128xf32, #tpu.memory_space<hbm>>
      %dma_start3A_248 = tpu.memref_squeeze %dma_start3A_247 : memref<16x1x1x128xf32, #tpu.memory_space<hbm>> -> memref<16x128xf32, #tpu.memory_space<hbm>>
      %dma_start3A_249 = arith.constant 0 : i32
      %dma_start3A_250 = tpu.memref_slice %arg6[%dma_start3A_249, %mul3A_240] : memref<16x2048xf32, #tpu.memory_space<vmem>> -> memref<16x128xf32, #tpu.memory_space<vmem>>
      tpu.enqueue_dma source(%dma_start3A_250 : memref<16x128xf32, #tpu.memory_space<vmem>>) target(%dma_start3A_248 : memref<16x128xf32, #tpu.memory_space<hbm>>) target_semaphore(%arg12 : memref<!tpu.dma_semaphore, #tpu.memory_space<semaphore_mem>>)
    }
    %scan3A_204 = arith.constant 16 : i32
    %dma_wait3A_205 = arith.constant 112 : i32
    %dma_wait3A_206 = tpu.memref_slice %arg5[%dma_wait3A_205] : memref<128xi32, #tpu.memory_space<vmem>> -> memref<16xi32, #tpu.memory_space<vmem>>
    %dma_wait3A_207 = arith.constant 0 : i32
    %dma_wait3A_208 = arith.constant 0 : i32
    %dma_wait3A_209 = tpu.memref_slice %arg2[%dma_wait3A_207, %dma_wait3A_208] : memref<65024x2048xf32, #tpu.memory_space<hbm>> -> memref<65024x2048xf32, #tpu.memory_space<hbm>>
    tpu.wait_indirect_dma semaphore(%arg10 : memref<!tpu.dma_semaphore, #tpu.memory_space<semaphore_mem>>) src(%dma_wait3A_209 : memref<65024x2048xf32, #tpu.memory_space<hbm>>) dst(%arg7 : memref<16x2048xf32, #tpu.memory_space<vmem>>)
    %mul3A_210 = arith.constant 128 : i32
    %mul3A_211 = arith.muli %select_n3A_30, %mul3A_210 : i32
    %add3A_212 = arith.constant 112 : i32
    %add3A_213 = arith.addi %mul3A_211, %add3A_212 : i32
    %scan3A_214 = arith.constant 0 : i32
    %scan3A_215 = arith.constant 0 : i32
    %scan3A_216 = arith.constant 16 : i32
    %scan3A_217 = arith.addi %scan3A_215, %scan3A_216 : i32
    %scan3A_218 = arith.constant 1 : i32
    scf.for %scan3A_238 = %scan3A_215 to %scan3A_217 step %scan3A_218  : i32 {
      %mul3A_239 = arith.constant 128 : i32
      %mul3A_240 = arith.muli %scan3A_238, %mul3A_239 : i32
      %dma_start3A_241 = arith.constant 0 : i32
      %dma_start3A_242 = tpu.memref_slice %arg7[%dma_start3A_241, %mul3A_240] : memref<16x2048xf32, #tpu.memory_space<vmem>> -> memref<16x128xf32, #tpu.memory_space<vmem>>
      %dma_start3A_243 = arith.constant 0 : i32
      %dma_start3A_244 = tpu.memref_slice %arg4[%add3A_213, %scan3A_238, %select_n3A, %dma_start3A_243] : memref<2048x16x2x128xf32, #tpu.memory_space<hbm>> -> memref<16x1x1x128xf32, #tpu.memory_space<hbm>>
      %dma_start3A_245 = tpu.memref_squeeze %dma_start3A_244 : memref<16x1x1x128xf32, #tpu.memory_space<hbm>> -> memref<16x128xf32, #tpu.memory_space<hbm>>
      %dma_start3A_246 = arith.constant 0 : i32
      %dma_start3A_247 = tpu.memref_slice %arg4[%add3A_213, %scan3A_238, %select_n3A, %dma_start3A_246] : memref<2048x16x2x128xf32, #tpu.memory_space<hbm>> -> memref<16x1x1x128xf32, #tpu.memory_space<hbm>>
      %dma_start3A_248 = tpu.memref_squeeze %dma_start3A_247 : memref<16x1x1x128xf32, #tpu.memory_space<hbm>> -> memref<16x128xf32, #tpu.memory_space<hbm>>
      %dma_start3A_249 = arith.constant 0 : i32
      %dma_start3A_250 = tpu.memref_slice %arg7[%dma_start3A_249, %mul3A_240] : memref<16x2048xf32, #tpu.memory_space<vmem>> -> memref<16x128xf32, #tpu.memory_space<vmem>>
      tpu.enqueue_dma source(%dma_start3A_250 : memref<16x128xf32, #tpu.memory_space<vmem>>) target(%dma_start3A_248 : memref<16x128xf32, #tpu.memory_space<hbm>>) target_semaphore(%arg13 : memref<!tpu.dma_semaphore, #tpu.memory_space<semaphore_mem>>)
    }
    %scan3A_219 = arith.constant 16 : i32
    %dma_wait3A_220 = arith.constant 0 : i32
    %dma_wait3A_221 = arith.constant 0 : i32
    %dma_wait3A_222 = tpu.memref_slice %arg2[%dma_wait3A_220, %dma_wait3A_221] : memref<65024x2048xf32, #tpu.memory_space<hbm>> -> memref<16x2048xf32, #tpu.memory_space<hbm>>
    %dma_wait3A_223 = arith.constant 0 : i32
    %dma_wait3A_224 = arith.constant 0 : i32
    %dma_wait3A_225 = tpu.memref_slice %arg2[%dma_wait3A_223, %dma_wait3A_224] : memref<65024x2048xf32, #tpu.memory_space<hbm>> -> memref<16x2048xf32, #tpu.memory_space<hbm>>
    tpu.wait_dma2 semaphore(%arg12 : memref<!tpu.dma_semaphore, #tpu.memory_space<semaphore_mem>>) src(%dma_wait3A_225 : memref<16x2048xf32, #tpu.memory_space<hbm>>) dst(%arg6 : memref<16x2048xf32, #tpu.memory_space<vmem>>)
    %dma_wait3A_226 = arith.constant 0 : i32
    %dma_wait3A_227 = arith.constant 0 : i32
    %dma_wait3A_228 = tpu.memref_slice %arg2[%dma_wait3A_226, %dma_wait3A_227] : memref<65024x2048xf32, #tpu.memory_space<hbm>> -> memref<16x2048xf32, #tpu.memory_space<hbm>>
    %dma_wait3A_229 = arith.constant 0 : i32
    %dma_wait3A_230 = arith.constant 0 : i32
    %dma_wait3A_231 = tpu.memref_slice %arg2[%dma_wait3A_229, %dma_wait3A_230] : memref<65024x2048xf32, #tpu.memory_space<hbm>> -> memref<16x2048xf32, #tpu.memory_space<hbm>>
    tpu.wait_dma2 semaphore(%arg13 : memref<!tpu.dma_semaphore, #tpu.memory_space<semaphore_mem>>) src(%dma_wait3A_231 : memref<16x2048xf32, #tpu.memory_space<hbm>>) dst(%arg7 : memref<16x2048xf32, #tpu.memory_space<vmem>>)
    %dma_wait3A_232 = arith.constant 0 : i32
    %dma_wait3A_233 = arith.constant 0 : i32
    %dma_wait3A_234 = tpu.memref_slice %arg2[%dma_wait3A_232, %dma_wait3A_233] : memref<65024x2048xf32, #tpu.memory_space<hbm>> -> memref<16x2048xf32, #tpu.memory_space<hbm>>
    %dma_wait3A_235 = arith.constant 0 : i32
    %dma_wait3A_236 = arith.constant 0 : i32
    %dma_wait3A_237 = tpu.memref_slice %arg2[%dma_wait3A_235, %dma_wait3A_236] : memref<65024x2048xf32, #tpu.memory_space<hbm>> -> memref<16x2048xf32, #tpu.memory_space<hbm>>
    tpu.wait_dma2 semaphore(%arg14 : memref<!tpu.dma_semaphore, #tpu.memory_space<semaphore_mem>>) src(%dma_wait3A_237 : memref<16x2048xf32, #tpu.memory_space<hbm>>) dst(%arg8 : memref<16x2048xf32, #tpu.memory_space<vmem>>)
    return
  }
}

module attributes {stable_mosaic.version = 14 : i64} {
  func.func @_rot_body(%arg0: memref<32x128xf32, #tpu.memory_space<vmem>>, %arg1: memref<32x16x2x128xf32, #tpu.memory_space<vmem>>) attributes {dimension_semantics = [], scalar_prefetch = 0 : i64, scratch_operands = 0 : i64, tpu.core_type = #tpu.core_type<tc>} {
    %iota3A = tpu.iota {dimensions = array<i32: 1>} : vector<32x16x128xi32>
    %iota3A_0 = tpu.iota {dimensions = array<i32: 2>} : vector<32x16x128xi32>
    %mul3A = arith.constant 128 : i32
    %mul3A_1 = vector.broadcast %mul3A : i32 to vector<32x16x128xi32>
    %mul3A_2 = arith.muli %iota3A, %mul3A_1 : vector<32x16x128xi32>
    %add3A = arith.addi %mul3A_2, %iota3A_0 : vector<32x16x128xi32>
    %convert_element_type3A = arith.sitofp %add3A : vector<32x16x128xi32> to vector<32x16x128xf32>
    %get3A = arith.constant 0 : index
    %get3A_3 = arith.constant 0 : index
    %get3A_4 = vector.load %arg0[%get3A, %get3A_3] : memref<32x128xf32, #tpu.memory_space<vmem>>, vector<32x128xf32>
    %broadcast_in_dim3A = vector.shape_cast %get3A_4 : vector<32x128xf32> to vector<32x1x128xf32>
    %mul3A_5 = vector.broadcast %broadcast_in_dim3A : vector<32x1x128xf32> to vector<32x16x128xf32>
    %mul3A_6 = arith.mulf %convert_element_type3A, %mul3A_5 : vector<32x16x128xf32>
    %cos3A = math.cos %mul3A_6 : vector<32x16x128xf32>
    %swap3A = arith.constant 0 : index
    %swap3A_7 = arith.constant 0 : index
    %swap3A_8 = arith.constant 0 : index
    %swap3A_9 = arith.constant 0 : index
    %swap3A_10 = vector.load %arg1[%swap3A, %swap3A_7, %swap3A_8, %swap3A_9] : memref<32x16x2x128xf32, #tpu.memory_space<vmem>>, vector<32x16x1x128xf32>
    %swap3A_11 = vector.shape_cast %swap3A_10 : vector<32x16x1x128xf32> to vector<32x16x128xf32>
    %swap3A_12 = vector.shape_cast %cos3A : vector<32x16x128xf32> to vector<32x16x1x128xf32>
    tpu.vector_store %arg1[%swap3A, %swap3A_7, %swap3A_8, %swap3A_9], %swap3A_12 {strides = array<i32>} : memref<32x16x2x128xf32, #tpu.memory_space<vmem>>, vector<32x16x1x128xf32>,
    %sin3A = math.sin %mul3A_6 : vector<32x16x128xf32>
    %swap3A_13 = arith.constant 0 : index
    %swap3A_14 = arith.constant 0 : index
    %swap3A_15 = arith.constant 1 : index
    %swap3A_16 = arith.constant 0 : index
    %swap3A_17 = vector.load %arg1[%swap3A_13, %swap3A_14, %swap3A_15, %swap3A_16] : memref<32x16x2x128xf32, #tpu.memory_space<vmem>>, vector<32x16x1x128xf32>
    %swap3A_18 = vector.shape_cast %swap3A_17 : vector<32x16x1x128xf32> to vector<32x16x128xf32>
    %swap3A_19 = vector.shape_cast %sin3A : vector<32x16x128xf32> to vector<32x16x1x128xf32>
    tpu.vector_store %arg1[%swap3A_13, %swap3A_14, %swap3A_15, %swap3A_16], %swap3A_19 {strides = array<i32>} : memref<32x16x2x128xf32, #tpu.memory_space<vmem>>, vector<32x16x1x128xf32>,
    return
  }
}

module attributes {stable_mosaic.version = 14 : i64} {
  func.func @_mask_body(%arg0: i32, %arg1: memref<256x2xi32, #tpu.memory_space<vmem>>, %arg2: memref<2x1x2048xi32, #tpu.memory_space<vmem>>, %arg3: memref<2x1x256x2048xi8, #tpu.memory_space<vmem>>) attributes {dimension_semantics = [#tpu.dimension_semantics<arbitrary>], iteration_bounds = array<i64: 8>, scalar_prefetch = 0 : i64, scratch_operands = 0 : i64, tpu.core_type = #tpu.core_type<tc>, window_params = [{transform_indices = @transform_0, window_bounds = array<i64: 256, 2>}, {pipeline_mode = #tpu.pipeline_mode<synchronous>, transform_indices = @transform_1, window_bounds = array<i64: 2, 1, 2048>}, {transform_indices = @transform_2, window_bounds = array<i64: 2, 1, 256, 2048>}]} {
    %mul3A = arith.constant 256 : i32
    %mul3A_0 = arith.muli %arg0, %mul3A : i32
    %iota3A = tpu.iota {dimensions = array<i32: 0>} : vector<256x2048xi32>
    %add3A = vector.broadcast %mul3A_0 : i32 to vector<256x2048xi32>
    %add3A_1 = arith.addi %add3A, %iota3A : vector<256x2048xi32>
    %iota3A_2 = tpu.iota {dimensions = array<i32: 1>} : vector<256x2048xi32>
    %gt3A = arith.cmpi sgt, %iota3A_2, %add3A_1 : vector<256x2048xi32>
    %convert_element_type3A = arith.extui %gt3A : vector<256x2048xi1> to vector<256x2048xi8>
    %get3A = arith.constant 0 : index
    %get3A_3 = arith.constant 0 : index
    %get3A_4 = arith.constant 0 : index
    %get3A_5 = vector.load %arg2[%get3A, %get3A_3, %get3A_4] : memref<2x1x2048xi32, #tpu.memory_space<vmem>>, vector<1x1x2048xi32>
    %get3A_6 = vector.shape_cast %get3A_5 : vector<1x1x2048xi32> to vector<1x2048xi32>
    %eq3A = arith.constant 0 : i32
    %eq3A_7 = vector.broadcast %eq3A : i32 to vector<1x2048xi32>
    %eq3A_8 = arith.cmpi eq, %get3A_6, %eq3A_7 : vector<1x2048xi32>
    %convert_element_type3A_9 = arith.extui %eq3A_8 : vector<1x2048xi1> to vector<1x2048xi8>
    %get3A_10 = arith.constant 0 : index
    %get3A_11 = arith.constant 0 : index
    %get3A_12 = vector.load %arg1[%get3A_10, %get3A_11] : memref<256x2xi32, #tpu.memory_space<vmem>>, vector<256x1xi32>
    %eq3A_13 = arith.constant 1 : i32
    %eq3A_14 = vector.broadcast %eq3A_13 : i32 to vector<256x1xi32>
    %eq3A_15 = arith.cmpi eq, %get3A_12, %eq3A_14 : vector<256x1xi32>
    %convert_element_type3A_16 = arith.extui %eq3A_15 : vector<256x1xi1> to vector<256x1xi8>
    %or3A = vector.broadcast %convert_element_type3A_9 : vector<1x2048xi8> to vector<256x2048xi8>
    %or3A_17 = arith.ori %convert_element_type3A, %or3A : vector<256x2048xi8>
    %and3A = vector.broadcast %convert_element_type3A_16 : vector<256x1xi8> to vector<256x2048xi8>
    %and3A_18 = arith.andi %and3A, %or3A_17 : vector<256x2048xi8>
    %swap3A = arith.constant 0 : index
    %swap3A_19 = arith.constant 0 : index
    %swap3A_20 = arith.constant 0 : index
    %swap3A_21 = arith.constant 0 : index
    %swap3A_22 = vector.load %arg3[%swap3A, %swap3A_19, %swap3A_20, %swap3A_21] : memref<2x1x256x2048xi8, #tpu.memory_space<vmem>>, vector<1x1x256x2048xi8>
    %swap3A_23 = vector.shape_cast %swap3A_22 : vector<1x1x256x2048xi8> to vector<256x2048xi8>
    %swap3A_24 = vector.shape_cast %and3A_18 : vector<256x2048xi8> to vector<1x1x256x2048xi8>
    tpu.vector_store %arg3[%swap3A, %swap3A_19, %swap3A_20, %swap3A_21], %swap3A_24 {strides = array<i32>} : memref<2x1x256x2048xi8, #tpu.memory_space<vmem>>, vector<1x1x256x2048xi8>,
    %get3A_25 = arith.constant 1 : index
    %get3A_26 = arith.constant 0 : index
    %get3A_27 = arith.constant 0 : index
    %get3A_28 = vector.load %arg2[%get3A_25, %get3A_26, %get3A_27] : memref<2x1x2048xi32, #tpu.memory_space<vmem>>, vector<1x1x2048xi32>
    %get3A_29 = vector.shape_cast %get3A_28 : vector<1x1x2048xi32> to vector<1x2048xi32>
    %eq3A_30 = arith.constant 0 : i32
    %eq3A_31 = vector.broadcast %eq3A_30 : i32 to vector<1x2048xi32>
    %eq3A_32 = arith.cmpi eq, %get3A_29, %eq3A_31 : vector<1x2048xi32>
    %convert_element_type3A_33 = arith.extui %eq3A_32 : vector<1x2048xi1> to vector<1x2048xi8>
    %get3A_34 = arith.constant 0 : index
    %get3A_35 = arith.constant 1 : index
    %get3A_36 = vector.load %arg1[%get3A_34, %get3A_35] : memref<256x2xi32, #tpu.memory_space<vmem>>, vector<256x1xi32>
    %eq3A_37 = arith.constant 1 : i32
    %eq3A_38 = vector.broadcast %eq3A_37 : i32 to vector<256x1xi32>
    %eq3A_39 = arith.cmpi eq, %get3A_36, %eq3A_38 : vector<256x1xi32>
    %convert_element_type3A_40 = arith.extui %eq3A_39 : vector<256x1xi1> to vector<256x1xi8>
    %or3A_41 = vector.broadcast %convert_element_type3A_33 : vector<1x2048xi8> to vector<256x2048xi8>
    %or3A_42 = arith.ori %convert_element_type3A, %or3A_41 : vector<256x2048xi8>
    %and3A_43 = vector.broadcast %convert_element_type3A_40 : vector<256x1xi8> to vector<256x2048xi8>
    %and3A_44 = arith.andi %and3A_43, %or3A_42 : vector<256x2048xi8>
    %swap3A_45 = arith.constant 1 : index
    %swap3A_46 = arith.constant 0 : index
    %swap3A_47 = arith.constant 0 : index
    %swap3A_48 = arith.constant 0 : index
    %swap3A_49 = vector.load %arg3[%swap3A_45, %swap3A_46, %swap3A_47, %swap3A_48] : memref<2x1x256x2048xi8, #tpu.memory_space<vmem>>, vector<1x1x256x2048xi8>
    %swap3A_50 = vector.shape_cast %swap3A_49 : vector<1x1x256x2048xi8> to vector<256x2048xi8>
    %swap3A_51 = vector.shape_cast %and3A_44 : vector<256x2048xi8> to vector<1x1x256x2048xi8>
    tpu.vector_store %arg3[%swap3A_45, %swap3A_46, %swap3A_47, %swap3A_48], %swap3A_51 {strides = array<i32>} : memref<2x1x256x2048xi8, #tpu.memory_space<vmem>>, vector<1x1x256x2048xi8>,
    return
  }
  func.func @transform_0(%arg0: i32) -> (i32, i32) {
    %c0_i32 = arith.constant 0 : i32
    %c0_i32_0 = arith.constant 0 : i32
    return %arg0, %c0_i32 : i32, i32
  }
  func.func @transform_1(%arg0: i32) -> (i32, i32, i32) {
    %c0_i32 = arith.constant 0 : i32
    %c0_i32_0 = arith.constant 0 : i32
    %c0_i32_1 = arith.constant 0 : i32
    %c0_i32_2 = arith.constant 0 : i32
    return %c0_i32, %c0_i32_0, %c0_i32_1 : i32, i32, i32
  }
  func.func @transform_2(%arg0: i32) -> (i32, i32, i32, i32) {
    %c0_i32 = arith.constant 0 : i32
    %c0_i32_0 = arith.constant 0 : i32
    %c0_i32_1 = arith.constant 0 : i32
    %c0_i32_2 = arith.constant 0 : i32
    return %c0_i32, %c0_i32_0, %arg0, %c0_i32_1 : i32, i32, i32, i32
  }
}

</mosaic_0001>

<sc_bundles>
// kernel: kernel.5.cloned.1.call-start
scs
__scs_entry_jumppad:
0x0: {  	(pc) =	sbr.rel $0x88, $3  }
0x1: {  	(tag) =	ssettag $0x0;
	lr =	simm.s32 $0x1  }
0x2: {  	[smem:$0x3F9E] =	sst lr;
	_ =	strace $0xD0000000  }
0x3: {  	_ = 	snop  }
0x4: {  	_ = 	snop  }
0x5: {  	_ = 	snop  }
0x6: {  	_ = 	snop  }
0x7: {  	_ = 	snop  }
__scs_overlays_trampoline_lowered:
0x8: {  	[smem:$0x3FAD] =	sst s0  }
0x9: {  	[smem:$0x3FAE] =	sst s1  }
0xa: {  	[smem:$0x3FAF] =	sst s2  }
0xb: {  	[smem:$0x3FB0] =	sst s3  }
0xc: {  	[smem:$0x3FB1] =	sst s4  }
0xd: {  	[smem:$0x3FB2] =	sst s5  }
0xe: {  	[smem:$0x3FB3] =	sst s6  }
0xf: {  	[smem:$0x3FB4] =	sst s7  }
0x10: {  	[smem:$0x3FB5] =	sst s8  }
0x11: {  	[smem:$0x3FB6] =	sst s9;
	s0 =	simm.s32 @!p0 $0x0  }
0x12: {  	s1 =	sld [smem:$0x3F9C];
	s0 =	simm.s32 @p0 $0x1  }
0x13: {  	[smem:$0x3FB7] =	sst s0;
	s0 =	simm.s32 @!p1 $0x0  }
0x14: {  	s2 =	sld [smem:$0x3F9B];
	s0 =	simm.s32 @p1 $0x1  }
0x15: {  	[smem:$0x3FB8] =	sst s0;
	s0 =	simm.s32 @!p2 $0x0  }
0x16: {  	s3 =	sld [smem:$0x3FDB];
	s0 =	simm.s32 @p2 $0x1  }
0x17: {  	s4 =	simm.s32 $0x1BF5;
	[smem:$0x3FBA] =	sst s0  }
0x18: {  	s0 =	sld [smem:$0x3F9D];
	_ =	swait.ge [sflag:s4], $0x0  }
0x19: {  	s7 =	sld [smem:$0x3F9E]  }
0x1a: {  	s8 =	sadd.s32 $0xFFFFE003, lr  }
0x1b: {  	s9 =	sadd.s32 $0xFFFFFEF7, lr;
	s5 =	simm.s32 $0xFFFFFFFF;
	p2 =	slt.u32 s8, $0xFFFFF086  }
0x1c: {  	p1 =	slt.u32 s9, $0xF7A;
	s5 =	simm.s32 @!p2 $0x0  }
0x1d: {  	s5 =	simm.s32 @p1 $0x1;
	p0 =	seq.s32 s7, s2  }
0x1e: {  	s7 =	smul.u32 @!p0 $0xF7A, s2;
	p2 =	seq.s32 @!p0 s5, $0x0  }
0x1f: {  	s9 =	smul.u32 $0xF7A, s1;
	s8 =	simm.s32 @!p0 $0x1BF5;
	p2 =	por !p2, p0  }
0x20: {  	[sflag:s8] =	ssyncset.s32 @!p0 $0xFFFFF086;
	s6 =	sadd.s32 @!p0 s3, s7;
	s7 =	simm.s32 @!p0 $0x108  }
0x21: {  	s3 =	sadd.s32 s3, s9;
	s6 =	sadd.s32 @!p0 $0x88, s6;
	s7 =	simm.s32 @p2 $0x1082  }
0x22: {  	[simem:s7], [sflag:s8] =	dma.local @!p0 [hbm:s6], $0xF7A  }
0x23: {  	s9 =	sor.u32 $0xD0000000, s2;
	s6 =	simm.s32 $0x108;
	_ =	swait.ge @!p0 [sflag:s8], $0x0  }
0x24: {  	s3 =	sadd.s32 $0x88, s3;
	s6 =	simm.s32 @!p1 $0x1082;
	[sflag:s4] =	ssyncset.s32 $0xFFFFF086  }
0x25: {  	[simem:s6], [sflag:s4] =	dma.local [hbm:s3], $0xF7A  }
0x26: {  	[smem:$0x3F9E] =	sst s1;
	(tag) =	ssettag s2;
	_ =	strace s9  }
0x27: {  	s1 =	sld [smem:$0x3FAE]  }
0x28: {  	s2 =	sld [smem:$0x3FAF]  }
0x29: {  	s4 =	sld [smem:$0x3FB1]  }
0x2a: {  	p0 =	seq.s32 s5, $0x0;
	s5 =	sld [smem:$0x3FB2]  }
0x2b: {  	s6 =	sld [smem:$0x3FB3]  }
0x2c: {  	s7 =	sld [smem:$0x3FB4]  }
0x2d: {  	s3 =	simm.s32 $0x108;
	s8 =	sld [smem:$0x3FB5]  }
0x2e: {  	s3 =	simm.s32 @!p0 $0x1082;
	s9 =	sld [smem:$0x3FB6]  }
0x2f: {  	lr =	sadd.s32 s0, s3;
	s0 =	sld [smem:$0x3FAD]  }
0x30: {  	s3 =	sld [smem:$0x3FB0]  }
0x31: {  	[smem:$0x3FB9] =	sst s10  }
0x32: {  	s10 =	sld [smem:$0x3FB7];
	_ =	sdelay $0x3  }
0x33: {  	p0 =	seq.s32 s10, $0x1;
	s10 =	sld [smem:$0x3FB9];
	_ =	sdelay $0x3  }
0x34: {  	[smem:$0x3FB9] =	sst s10  }
0x35: {  	s10 =	sld [smem:$0x3FB8];
	_ =	sdelay $0x3  }
0x36: {  	p1 =	seq.s32 s10, $0x1;
	s10 =	sld [smem:$0x3FB9];
	_ =	sdelay $0x3  }
0x37: {  	[smem:$0x3FB9] =	sst s10  }
0x38: {  	s10 =	sld [smem:$0x3FBA]  }
0x39: {  	_ = 	snop;
	(pc) =	sbr.ind lr, $3  }
0x3a: {  	_ = 	snop  }
0x3b: {  	_ = 	snop  }
0x3c: {  	p2 =	seq.s32 s10, $0x1;
	s10 =	sld [smem:$0x3FB9]  }
0x3d: {  	_ =	shalt  }
0x3e: {  	_ =	shalt  }
0x3f: {  	_ =	shalt  }
0x40: {  	_ =	shalt  }
0x41: {  	_ =	shalt  }
0x42: {  	_ =	shalt  }
0x43: {  	_ =	shalt  }
0x44: {  	_ =	shalt  }
0x45: {  	_ =	shalt  }
0x46: {  	_ =	shalt  }
0x47: {  	_ =	shalt  }
0x48: {  	_ =	shalt  }
0x49: {  	_ =	shalt  }
0x4a: {  	_ =	shalt  }
0x4b: {  	_ =	shalt  }
0x4c: {  	_ =	shalt  }
0x4d: {  	_ =	shalt  }
0x4e: {  	_ =	shalt  }
0x4f: {  	_ =	shalt  }
0x50: {  	_ =	shalt  }
0x51: {  	_ =	shalt  }
0x52: {  	_ =	shalt  }
0x53: {  	_ =	shalt  }
0x54: {  	_ =	shalt  }
0x55: {  	_ =	shalt  }
0x56: {  	_ =	shalt  }
0x57: {  	_ =	shalt  }
0x58: {  	_ =	shalt  }
0x59: {  	_ =	shalt  }
0x5a: {  	_ =	shalt  }
0x5b: {  	_ =	shalt  }
0x5c: {  	_ =	shalt  }
0x5d: {  	_ =	shalt  }
0x5e: {  	_ =	shalt  }
0x5f: {  	_ =	shalt  }
0x60: {  	_ =	shalt  }
0x61: {  	_ =	shalt  }
0x62: {  	_ =	shalt  }
0x63: {  	_ =	shalt  }
0x64: {  	_ =	shalt  }
0x65: {  	_ =	shalt  }
0x66: {  	_ =	shalt  }
0x67: {  	_ =	shalt  }
0x68: {  	_ =	shalt  }
0x69: {  	_ =	shalt  }
0x6a: {  	_ =	shalt  }
0x6b: {  	_ =	shalt  }
0x6c: {  	_ =	shalt  }
0x6d: {  	_ =	shalt  }
0x6e: {  	_ =	shalt  }
0x6f: {  	_ =	shalt  }
0x70: {  	_ =	shalt  }
0x71: {  	_ =	shalt  }
0x72: {  	_ =	shalt  }
0x73: {  	_ =	shalt  }
0x74: {  	_ =	shalt  }
0x75: {  	_ =	shalt  }
0x76: {  	_ =	shalt  }
0x77: {  	_ =	shalt  }
0x78: {  	_ =	shalt  }
0x79: {  	_ =	shalt  }
0x7a: {  	_ =	shalt  }
0x7b: {  	_ =	shalt  }
0x7c: {  	_ =	shalt  }
0x7d: {  	_ =	shalt  }
0x7e: {  	_ =	shalt  }
0x7f: {  	_ =	shalt  }
0x80: {  	_ =	shalt  }
0x81: {  	_ =	shalt  }
0x82: {  	_ =	shalt  }
0x83: {  	_ =	shalt  }
0x84: {  	_ =	shalt  }
0x85: {  	_ =	shalt  }
0x86: {  	_ =	shalt  }
0x87: {  	_ =	shalt  }
.Lfunc_end0:
.L_simem_size_0:
called_computation_lowered:
.L_overlay_start_0:
0x88: {  	s2 =	sld [smem:$0x3FD9]  }
0x89: {  	s3 =	sld [smem:$0x3FFE];
	_ =	sdelay $0x1  }
0x8a: {  	s1 =	srdreg.scid  }
0x8b: {  	s0 =	sand.u32 $0x1, s1  }
0x8c: {  	s15 =	sshll.u32 s0, $0xA;
	s2 =	sadd.s32 s3, s2  }
0x8d: {  	s2 =	sadd.s32 s2, s15  }
0x8e: {  	[smem:$0x3FC5] =	sst s2  }
0x8f: {  	_ = 	snop  }
0x90: {  	s2 =	sld [smem:$0x3FD0];
	_ =	sdelay $0x1  }
0x91: {  	s16 =	sld [smem:$0x3FC9]  }
0x92: {  	s5 =	simm.s32 $0xA;
	s6 =	simm.s32 $0x10;
	s4 =	sld [smem:$0x3FC7]  }
0x93: {  	[smem:s6], [sflag:s5] =	dma.local [hbm:s2], $0x1  }
0x94: {  	_ =	swait.eq [sflag:s5], $0x1  }
0x95: {  	[sflag:s5] =	ssyncset.done $0x0  }
0x96: {  	[sflag:s5] =	ssyncadd.s32 $0xFFFFFFFF  }
0x97: {  	s17 =	sld [smem:$0x10];
	(tm) =	ssettm $0x1  }
0x98: {  	s18 =	sld [smem:$0x3FFB];
	_ =	sdelay $0x3  }
0x99: {  	_ =	strace s18  }
0x9a: {  	s5 =	sld [smem:$0x3FFC];
	_ =	sdelay $0x3  }
0x9b: {  	_ =	strace s5  }
0x9c: {  	s5 =	sld [smem:$0x3FFD];
	_ =	sdelay $0x3  }
0x9d: {  	_ =	strace s5  }
0x9e: {  	_ =	strace $0x8FFFFFFF  }
0x9f: {  	s19 =	sld [smem:$0x3FDB];
	_ =	sdelay $0x1  }
0xa0: {  	s20 =	simm.s32 $_scs_section_size  }
0xa1: {  	s7 =	simm.s32 $_size__tile_overlayer_lowered;
	s8 =	simm.s32 $_tile_overlayer_lowered  }
0xa2: {  	s23 =	simm.s32 $0x1BFF;
	s22 =	sshll.u32 s8, $0x1;
	s5 =	sadd.s32 s20, s19  }
0xa3: {  	s9 =	simm.s32 $0x0;
	s21 =	sshll.u32 s7, $0x1;
	s7 =	sadd.s32 s22, s5  }
0xa4: {  	[timem:s9], [sflag:s23] =	dma.local [hbm:s7], s21  }
0xa5: {  	_ =	swait.ge [sflag:s23], s21  }
0xa6: {  	s6 =	ssub.s32 $0x0, s21;
	[sflag:s23] =	ssyncset.done $0x0  }
0xa7: {  	[sflag:s23] =	ssyncadd.s32 s6;
	_ =	sdelay $0x1  }
0xa8: {  	s24 =	simm.s32 $0x1B8B  }
0xa9: {  	_ =	swait.ge [sflag:s24], $0x1  }
0xaa: {  	[sflag:s24] =	ssyncset.done $0x0  }
0xab: {  	s25 =	simm.s32 $0x1B8E;
	[sflag:s24] =	ssyncadd.s32 $0xFFFFFFFF  }
0xac: {  	s26 =	simm.s32 $execute0_lowered;
	[smem:$0x3FD2] =	sst s25  }
0xad: {  	s6 =	sshll.u32 s26, $0x1;
	_ =	strace $0x80000046;
	[dreg:$0x1] =	wrdreg $0xFFFFFFFF  }
0xae: {  	s28 =	simm.s32 $_size_execute0_lowered;
	s5 =	sadd.s32 s5, s6;
	[dreg:$0x0] =	wrdreg $0x0  }
0xaf: {  	s6 =	sshll.u32 s28, $0x1;
	[dreg:$0x2] =	wrdreg s5  }
0xb0: {  	[dreg:$0x3] =	wrdreg s6  }
0xb1: {  	[dreg:$0x4] =	wrdreg $0xC0  }
0xb2: {  	_ =	task [dreg:s9], $0x5FFFF  }
0xb3: {  	[dreg:$0x1] =	wrdreg $0xFFFFFFFF  }
0xb4: {  	[dreg:$0x0] =	wrdreg $0x60  }
0xb5: {  	[dreg:$0x2] =	wrdreg s4  }
0xb6: {  	[dreg:$0x3] =	wrdreg s16  }
0xb7: {  	[dreg:$0x4] =	wrdreg s17  }
0xb8: {  	[dreg:$0x5] =	wrdreg $0x9  }
0xb9: {  	_ =	task.clear_ibuf [dreg:s9], $0x6FFFF;
	_ =	strace $0x90000046  }
0xba: {  	s29 =	simm.s32 $0x9;
	_ =	strace $0x80000048  }
0xbb: {  	_ =	swait.ge [sflag:s29], $0x1  }
0xbc: {  	[sflag:s29] =	ssyncadd.s32 $0xFFFFFFFF  }
0xbd: {  	_ =	strace $0x90000048  }
0xbe: {  	_ =	sfence  }
0xbf: {  	s30 =	sld [smem:$0x0];
	_ =	sdelay $0x2  }
0xc0: {  	s31 =	sshll.u32 s1, $0xD;
	s1 =	sshrl.u32 s1, $0x2  }
0xc1: {  	s3 =	sand.u32 $0x4000, s31;
	s1 =	sadd.s32 s1, s30  }
0xc2: {  	s0 =	sor.u32 s3, s0;
	s1 =	sshll.u32 s1, $0x11  }
0xc3: {  	s0 =	sor.u32 s1, s0  }
0xc4: {  	s0 =	sadd.s32 $0x8F2B, s0  }
0xc5: {  	[sflag:s0] =	ssyncadd.remote.s32 $0x1  }
0xc6: {  	_ =	sfence.sel $0xFFFF  }
0xc7: {  	[dreg:$0x0] =	wrdreg $0xFFFFFFFF;
	(pc) =	sbr.abs _section_cstart, $3  }
0xc8: {  	[dreg:$0x1] =	wrdreg $0xFFFFFFFF  }
0xc9: {  	_ =	task.clear_ibuf [dreg:s9], $0x2FFFF;
	_ =	strace $0x9FFFFFFF  }
0xca: {  	(tm) =	ssettm $0x7FFFFFFF  }
0xcb: {  	_ =	shalt  }
tec
execute0_lowered:
.L_overlay_start_1:
0x0: {  	(tag) =	ssettag $0x1  }
0x1: {  	s2 =	rddreg [dreg:$0x0]  }
0x2: {  	s0 =	rddreg [dreg:$0x1]  }
0x3: {  	s1 =	rddreg [dreg:$0x2]  }
0x4: {  	s8 =	stileid.u32;
	s4 =	srdreg.scid;
	s3 =	simm.s32 $0x0  }
0x5: {  	s28 =	simm.s32 $0x1000;
	s29 =	simm.s32 $0x2;
	s30 =	simm.s32 $0x4  }
0x6: {  	s31 =	simm.s32 $0x3;
	s5 =	sshll.u32 s8, $0x1;
	s4 =	sand.u32 $0x1, s4  }
0x7: {  	[smem:$0x7FF] =	sst s3;
	s6 =	sshll.u32 s8, $0x4;
	s20 =	sand.u32 $0x7, s8  }
0x8: {  	s8 =	sadd.s32 $0x400, s2;
	s10 =	sadd.s32 $0x600, s2;
	s5 =	sand.u32 $0xE, s5  }
0x9: {  	s11 =	sadd.s32 $0x700, s2;
	s7 =	ssub.s32 $0x2, s4;
	s5 =	sor.u32 s4, s5  }
0xa: {  	s9 =	sand.u32 $0x80, s6;
	_ =	strace $0x80000047;
	s5 =	sshll.u32 s5, $0x8  }
0xb: {  	s21 =	sshll.u32 s20, $0x14;
	s6 =	sadd.s32 $0x200, s2;
	s5 =	sor.u32 s9, s5  }
0xc: {  	s19 =	sshrl.u32 s7, $0x1;
	s4 =	sshll.u32 s4, $0x13;
	s5 =	sshrl.u32 s5, $0x3  }
0xd: {  	s12 =	ssub.s32 s7, s19;
	s7 =	sadd.s32 $0x300, s2;
	s0 =	sadd.s32 s0, s5  }
0xe: {  	s12 =	smax.u32 s12, $0x1;
	[dreg:$0x4] =	wrdreg s0;
	s0 =	sor.u32 s4, s21  }
0xf: {  	[dreg:$0x5] =	wrdreg s12;
	s5 =	sadd.s32 $0x100, s2;
	s0 =	sor.u32 s9, s0  }
0x10: {  	s9 =	sadd.s32 $0x500, s2;
	s22 =	sor.u32 $0x10000, s0;
	s13 =	sshrl.u32 s0, $0x3  }
0x11: {  	s23 =	sor.u32 $0x20000, s0;
	s24 =	sor.u32 $0x30000, s0;
	s15 =	sor.u32 $0x40000, s0  }
0x12: {  	s25 =	sor.u32 $0x50000, s0;
	s26 =	sor.u32 $0x60000, s0;
	s0 =	sor.u32 $0x70000, s0  }
0x13: {  	s4 =	sshrl.u32 s22, $0x3;
	s13 =	sadd.s32 s13, s1;
	s12 =	sshrl.u32 s24, $0x3  }
0x14: {  	s17 =	sshrl.u32 s15, $0x3;
	s0 =	sshrl.u32 s0, $0x3;
	s24 =	simm.s32 $0xF880  }
0x15: {  	s14 =	sadd.s32 s4, s1;
	s4 =	sshrl.u32 s23, $0x3;
	s16 =	sadd.s32 s12, s1  }
0x16: {  	s17 =	sadd.s32 s17, s1;
	s12 =	sshrl.u32 s26, $0x3;
	s20 =	sadd.s32 s0, s1  }
0x17: {  	v2 =	vlaneseq.u32;
	s26 =	simm.s32 $0x80;
	s0 =	simm.s32 $0x5;
	s15 =	sadd.s32 s4, s1  }
0x18: {  	vm0 =	vmmov $0xffff;
	v1 =	vshrl.u32 v2, $0x3;
	s4 =	sshrl.u32 s25, $0x3;
	s19 =	sadd.s32 s12, s1;
	s25 =	simm.s32 $0x1  }
0x19: {  	v0 =	vand.u32 $0x7, v2;
	v2 =	vor.u32 $0x8, v2;
	v1 =	vmul.u32 $0x8, v1;
	s18 =	sadd.s32 s4, s1;
	s1 =	simm.s32 $0x6;
	s4 =	simm.s32 $0x0  }
.LBB2_1:
0x1a: {  	s12 =	rddreg [dreg:$0x4];
	s23 =	simm.s32 $0x7  }
0x1b: {  	[tilespmem:s3], [sflag:$0x7] =	stream.linear.gather [hbm4b:s12+s3], $0x80, $0x38;
	[tilespmem:$0x18080] =	vst v63  }
0x1c: {  	_ =	swait.ge [sflag:s23], $0x80  }
0x1d: {  	[sflag:s23] =	ssyncset.done $0x0  }
0x1e: {  	[sflag:s23] =	ssyncadd.s32 $0xFFFFFF80  }
0x1f: {  	v3 =	vld [tilespmem:$0x0];
	_ =	sdelay $0x4  }
0x20: {  	v4 =	vshll.u32 v3, $0x4  }
0x21: {  	v3 =	vand.u32 $0x7, v3;
	v4 =	vand.u32 $0xFFFFFF80, v4  }
0x22: {  	v3 =	vor.u32 v3, v4  }
0x23: {  	v4 =	vperm.xlane v3, v0;
	_ =	sdelay $0x1  }
0x24: {  	v4 =	vadd.s32 v1, v4;
	_ =	sdelay $0x4  }
0x25: {  	[tilespmem:s26], [sflag:$0x1] =	stream.indirect_vreg.gather [hbm4b:s2+s3], $0x80, v4, vm0, $0xb8;
	[tilespmem:$0x18080] =	vst v63  }
0x26: {  	s21 =	simm.s32 $0x880  }
0x27: {  	[tilespmem:s21], [sflag:$0x1] =	stream.indirect_vreg.gather [hbm4b:s5+s3], $0x80, v4, vm0, $0xb8;
	[tilespmem:$0x18080] =	vst v63  }
0x28: {  	s22 =	simm.s32 $0x1080  }
0x29: {  	[tilespmem:s22], [sflag:$0x1] =	stream.indirect_vreg.gather [hbm4b:s6+s3], $0x80, v4, vm0, $0xb8;
	[tilespmem:$0x18080] =	vst v63  }
0x2a: {  	s23 =	simm.s32 $0x1880  }
0x2b: {  	[tilespmem:s23], [sflag:$0x1] =	stream.indirect_vreg.gather [hbm4b:s7+s3], $0x80, v4, vm0, $0xb8;
	[tilespmem:$0x18080] =	vst v63  }
0x2c: {  	s21 =	simm.s32 $0x2080  }
0x2d: {  	[tilespmem:s21], [sflag:$0x1] =	stream.indirect_vreg.gather [hbm4b:s8+s3], $0x80, v4, vm0, $0xb8;
	[tilespmem:$0x18080] =	vst v63  }
0x2e: {  	v3 =	vperm.xlane v3, v2;
	s22 =	simm.s32 $0x2880  }
0x2f: {  	[tilespmem:s22], [sflag:$0x1] =	stream.indirect_vreg.gather [hbm4b:s9+s3], $0x80, v4, vm0, $0xb8;
	[tilespmem:$0x18080] =	vst v63  }
0x30: {  	v3 =	vadd.s32 v1, v3;
	s23 =	simm.s32 $0x3080  }
0x31: {  	[tilespmem:s23], [sflag:$0x1] =	stream.indirect_vreg.gather [hbm4b:s10+s3], $0x80, v4, vm0, $0xb8;
	[tilespmem:$0x18080] =	vst v63  }
0x32: {  	s21 =	simm.s32 $0x3880  }
0x33: {  	[tilespmem:s21], [sflag:$0x1] =	stream.indirect_vreg.gather [hbm4b:s11+s3], $0x80, v4, vm0, $0xb8;
	[tilespmem:$0x18080] =	vst v63  }
0x34: {  	s22 =	simm.s32 $0x4080  }
0x35: {  	[tilespmem:s22], [sflag:$0x1] =	stream.indirect_vreg.gather [hbm4b:s2+s3], $0x80, v3, vm0, $0xb8;
	[tilespmem:$0x18080] =	vst v63  }
0x36: {  	s23 =	simm.s32 $0x4880  }
0x37: {  	[tilespmem:s23], [sflag:$0x1] =	stream.indirect_vreg.gather [hbm4b:s5+s3], $0x80, v3, vm0, $0xb8;
	[tilespmem:$0x18080] =	vst v63  }
0x38: {  	s21 =	simm.s32 $0x5080  }
0x39: {  	[tilespmem:s21], [sflag:$0x1] =	stream.indirect_vreg.gather [hbm4b:s6+s3], $0x80, v3, vm0, $0xb8;
	[tilespmem:$0x18080] =	vst v63  }
0x3a: {  	s22 =	simm.s32 $0x5880  }
0x3b: {  	[tilespmem:s22], [sflag:$0x1] =	stream.indirect_vreg.gather [hbm4b:s7+s3], $0x80, v3, vm0, $0xb8;
	[tilespmem:$0x18080] =	vst v63  }
0x3c: {  	s23 =	simm.s32 $0x6080  }
0x3d: {  	[tilespmem:s23], [sflag:$0x1] =	stream.indirect_vreg.gather [hbm4b:s8+s3], $0x80, v3, vm0, $0xb8;
	[tilespmem:$0x18080] =	vst v63  }
0x3e: {  	s21 =	simm.s32 $0x6880  }
0x3f: {  	[tilespmem:s21], [sflag:$0x1] =	stream.indirect_vreg.gather [hbm4b:s9+s3], $0x80, v3, vm0, $0xb8;
	[tilespmem:$0x18080] =	vst v63  }
0x40: {  	s22 =	simm.s32 $0x7080  }
0x41: {  	[tilespmem:s22], [sflag:$0x1] =	stream.indirect_vreg.gather [hbm4b:s10+s3], $0x80, v3, vm0, $0xb8;
	[tilespmem:$0x18080] =	vst v63  }
0x42: {  	s23 =	simm.s32 $0x7880  }
0x43: {  	[tilespmem:s23], [sflag:$0x1] =	stream.indirect_vreg.gather [hbm4b:s11+s3], $0x80, v3, vm0, $0xb8;
	[tilespmem:$0x18080] =	vst v63  }
0x44: {  	v3 =	vld [tilespmem:$0x10];
	_ =	sdelay $0x4  }
0x45: {  	v63 =	vshll.u32 v3, $0x4  }
0x46: {  	v3 =	vand.u32 $0x7, v3;
	v4 =	vand.u32 $0xFFFFFF80, v63  }
0x47: {  	v3 =	vor.u32 v3, v4  }
0x48: {  	v4 =	vperm.xlane v3, v0;
	_ =	sdelay $0x1  }
0x49: {  	v4 =	vadd.s32 v1, v4;
	_ =	sdelay $0x3  }
0x4a: {  	s21 =	simm.s32 $0x8080  }
0x4b: {  	[tilespmem:s21], [sflag:$0x2] =	stream.indirect_vreg.gather [hbm4b:s2+s3], $0x80, v4, vm0, $0xb8;
	[tilespmem:$0x18080] =	vst v63  }
0x4c: {  	s22 =	simm.s32 $0x8880  }
0x4d: {  	[tilespmem:s22], [sflag:$0x2] =	stream.indirect_vreg.gather [hbm4b:s5+s3], $0x80, v4, vm0, $0xb8;
	[tilespmem:$0x18080] =	vst v63  }
0x4e: {  	s23 =	simm.s32 $0x9080  }
0x4f: {  	[tilespmem:s23], [sflag:$0x2] =	stream.indirect_vreg.gather [hbm4b:s6+s3], $0x80, v4, vm0, $0xb8;
	[tilespmem:$0x18080] =	vst v63  }
0x50: {  	s21 =	simm.s32 $0x9880  }
0x51: {  	[tilespmem:s21], [sflag:$0x2] =	stream.indirect_vreg.gather [hbm4b:s7+s3], $0x80, v4, vm0, $0xb8;
	[tilespmem:$0x18080] =	vst v63  }
0x52: {  	s22 =	simm.s32 $0xA080  }
0x53: {  	[tilespmem:s22], [sflag:$0x2] =	stream.indirect_vreg.gather [hbm4b:s8+s3], $0x80, v4, vm0, $0xb8;
	[tilespmem:$0x18080] =	vst v63  }
0x54: {  	v3 =	vperm.xlane v3, v2;
	s23 =	simm.s32 $0xA880  }
0x55: {  	[tilespmem:s23], [sflag:$0x2] =	stream.indirect_vreg.gather [hbm4b:s9+s3], $0x80, v4, vm0, $0xb8;
	[tilespmem:$0x18080] =	vst v63  }
0x56: {  	v3 =	vadd.s32 v1, v3;
	s21 =	simm.s32 $0xB080  }
0x57: {  	[tilespmem:s21], [sflag:$0x2] =	stream.indirect_vreg.gather [hbm4b:s10+s3], $0x80, v4, vm0, $0xb8;
	[tilespmem:$0x18080] =	vst v63  }
0x58: {  	s22 =	simm.s32 $0xB880  }
0x59: {  	[tilespmem:s22], [sflag:$0x2] =	stream.indirect_vreg.gather [hbm4b:s11+s3], $0x80, v4, vm0, $0xb8;
	[tilespmem:$0x18080] =	vst v63  }
0x5a: {  	s23 =	simm.s32 $0xC080  }
0x5b: {  	[tilespmem:s23], [sflag:$0x2] =	stream.indirect_vreg.gather [hbm4b:s2+s3], $0x80, v3, vm0, $0xb8;
	[tilespmem:$0x18080] =	vst v63  }
0x5c: {  	s21 =	simm.s32 $0xC880  }
0x5d: {  	[tilespmem:s21], [sflag:$0x2] =	stream.indirect_vreg.gather [hbm4b:s5+s3], $0x80, v3, vm0, $0xb8;
	[tilespmem:$0x18080] =	vst v63  }
0x5e: {  	s22 =	simm.s32 $0xD080  }
0x5f: {  	[tilespmem:s22], [sflag:$0x2] =	stream.indirect_vreg.gather [hbm4b:s6+s3], $0x80, v3, vm0, $0xb8;
	[tilespmem:$0x18080] =	vst v63  }
0x60: {  	s23 =	simm.s32 $0xD880  }
0x61: {  	[tilespmem:s23], [sflag:$0x2] =	stream.indirect_vreg.gather [hbm4b:s7+s3], $0x80, v3, vm0, $0xb8;
	[tilespmem:$0x18080] =	vst v63  }
0x62: {  	s21 =	simm.s32 $0xE080  }
0x63: {  	[tilespmem:s21], [sflag:$0x2] =	stream.indirect_vreg.gather [hbm4b:s8+s3], $0x80, v3, vm0, $0xb8;
	[tilespmem:$0x18080] =	vst v63  }
0x64: {  	s22 =	simm.s32 $0xE880  }
0x65: {  	[tilespmem:s22], [sflag:$0x2] =	stream.indirect_vreg.gather [hbm4b:s9+s3], $0x80, v3, vm0, $0xb8;
	[tilespmem:$0x18080] =	vst v63  }
0x66: {  	s23 =	simm.s32 $0xF080  }
0x67: {  	[tilespmem:s23], [sflag:$0x2] =	stream.indirect_vreg.gather [hbm4b:s10+s3], $0x80, v3, vm0, $0xb8;
	[tilespmem:$0x18080] =	vst v63  }
0x68: {  	_ = 	snop  }
0x69: {  	[tilespmem:s24], [sflag:$0x2] =	stream.indirect_vreg.gather [hbm4b:s11+s3], $0x80, v3, vm0, $0xb8;
	[tilespmem:$0x18080] =	vst v63  }
0x6a: {  	_ =	swait.ge [sflag:s25], $0x8000  }
0x6b: {  	[sflag:s25] =	ssyncset.done $0x0  }
0x6c: {  	s12 =	simm.s32 $0x20;
	s21 =	sadd.s32 $0x0, s13;
	[sflag:s25] =	ssyncadd.s32 $0xFFFF8000  }
0x6d: {  	[hbm4b:s21+s26] =	stream.strided.scatter [tilespmem:s26], [sflag:$0x4], $0x400, s28, s26, $0x38;
	[tilespmem:$0x18080] =	vst v63  }
0x6e: {  	s22 =	simm.s32 $0x4080;
	s23 =	sadd.s32 $0x1000, s21;
	s21 =	simm.s32 $0x480  }
.LBB2_2:
0x6f: {  	[hbm4b:s23+s26] =	stream.strided.scatter [tilespmem:s22], [sflag:$0x4], $0x400, s28, s26, $0x38;
	[tilespmem:$0x18080] =	vst v63  }
0x70: {  	s22 =	smov.u32 s12;
	p0 =	sne.s32 s12, $0x1E0  }
.Ltmp0:
0x71: {  	s12 =	sadd.s32 $0x20, s12;
	(pc) =	sbr.rel @p0 .LBB2_2-.Ltmp0, $4  }
0x72: {  	_ = 	snop  }
0x73: {  	s23 =	sadd.s32 s22, s13  }
0x74: {  	[hbm4b:s23+s26] =	stream.strided.scatter [tilespmem:s21], [sflag:$0x4], $0x400, s28, s26, $0x38;
	[tilespmem:$0x18080] =	vst v63  }
0x75: {  	s22 =	sadd.s32 $0x4000, s21;
	s23 =	sadd.s32 $0x1000, s23;
	s21 =	sadd.s32 $0x400, s21  }
0x76: {  	[hbm4b:s23+s26] =	stream.strided.scatter [tilespmem:s22], [sflag:$0x4], $0x400, s28, s26, $0x38;
	[tilespmem:$0x18080] =	vst v63  }
0x77: {  	v3 =	vld [tilespmem:$0x20];
	_ =	sdelay $0x4  }
0x78: {  	v4 =	vshll.u32 v3, $0x4  }
0x79: {  	v3 =	vand.u32 $0x7, v3;
	v4 =	vand.u32 $0xFFFFFF80, v4  }
0x7a: {  	v3 =	vor.u32 v3, v4  }
0x7b: {  	v4 =	vperm.xlane v3, v0;
	_ =	sdelay $0x1  }
0x7c: {  	v4 =	vadd.s32 v1, v4;
	_ =	sdelay $0x3  }
0x7d: {  	s12 =	simm.s32 $0x0;
	s21 =	simm.s32 $0x10080  }
0x7e: {  	[tilespmem:s21], [sflag:$0x3] =	stream.indirect_vreg.gather [hbm4b:s2+s12], $0x80, v4, vm0, $0xb8;
	[tilespmem:$0x18080] =	vst v63  }
0x7f: {  	s23 =	simm.s32 $0x10880  }
0x80: {  	[tilespmem:s23], [sflag:$0x3] =	stream.indirect_vreg.gather [hbm4b:s5+s12], $0x80, v4, vm0, $0xb8;
	[tilespmem:$0x18080] =	vst v63  }
0x81: {  	s22 =	simm.s32 $0x11080  }
0x82: {  	[tilespmem:s22], [sflag:$0x3] =	stream.indirect_vreg.gather [hbm4b:s6+s12], $0x80, v4, vm0, $0xb8;
	[tilespmem:$0x18080] =	vst v63  }
0x83: {  	s23 =	simm.s32 $0x11880  }
0x84: {  	[tilespmem:s23], [sflag:$0x3] =	stream.indirect_vreg.gather [hbm4b:s7+s12], $0x80, v4, vm0, $0xb8;
	[tilespmem:$0x18080] =	vst v63  }
0x85: {  	s22 =	simm.s32 $0x12080  }
0x86: {  	[tilespmem:s22], [sflag:$0x3] =	stream.indirect_vreg.gather [hbm4b:s8+s12], $0x80, v4, vm0, $0xb8;
	[tilespmem:$0x18080] =	vst v63  }
0x87: {  	v3 =	vperm.xlane v3, v2;
	s23 =	simm.s32 $0x12880  }
0x88: {  	[tilespmem:s23], [sflag:$0x3] =	stream.indirect_vreg.gather [hbm4b:s9+s12], $0x80, v4, vm0, $0xb8;
	[tilespmem:$0x18080] =	vst v63  }
0x89: {  	v3 =	vadd.s32 v1, v3;
	s22 =	simm.s32 $0x13080  }
0x8a: {  	[tilespmem:s22], [sflag:$0x3] =	stream.indirect_vreg.gather [hbm4b:s10+s12], $0x80, v4, vm0, $0xb8;
	[tilespmem:$0x18080] =	vst v63  }
0x8b: {  	s23 =	simm.s32 $0x13880  }
0x8c: {  	[tilespmem:s23], [sflag:$0x3] =	stream.indirect_vreg.gather [hbm4b:s11+s12], $0x80, v4, vm0, $0xb8;
	[tilespmem:$0x18080] =	vst v63  }
0x8d: {  	s22 =	simm.s32 $0x14080  }
0x8e: {  	[tilespmem:s22], [sflag:$0x3] =	stream.indirect_vreg.gather [hbm4b:s2+s12], $0x80, v3, vm0, $0xb8;
	[tilespmem:$0x18080] =	vst v63  }
0x8f: {  	s23 =	simm.s32 $0x14880  }
0x90: {  	[tilespmem:s23], [sflag:$0x3] =	stream.indirect_vreg.gather [hbm4b:s5+s12], $0x80, v3, vm0, $0xb8;
	[tilespmem:$0x18080] =	vst v63  }
0x91: {  	s22 =	simm.s32 $0x15080  }
0x92: {  	[tilespmem:s22], [sflag:$0x3] =	stream.indirect_vreg.gather [hbm4b:s6+s12], $0x80, v3, vm0, $0xb8;
	[tilespmem:$0x18080] =	vst v63  }
0x93: {  	s23 =	simm.s32 $0x15880  }
0x94: {  	[tilespmem:s23], [sflag:$0x3] =	stream.indirect_vreg.gather [hbm4b:s7+s12], $0x80, v3, vm0, $0xb8;
	[tilespmem:$0x18080] =	vst v63  }
0x95: {  	s22 =	simm.s32 $0x16080  }
0x96: {  	[tilespmem:s22], [sflag:$0x3] =	stream.indirect_vreg.gather [hbm4b:s8+s12], $0x80, v3, vm0, $0xb8;
	[tilespmem:$0x18080] =	vst v63  }
0x97: {  	s23 =	simm.s32 $0x16880  }
0x98: {  	[tilespmem:s23], [sflag:$0x3] =	stream.indirect_vreg.gather [hbm4b:s9+s12], $0x80, v3, vm0, $0xb8;
	[tilespmem:$0x18080] =	vst v63  }
0x99: {  	s22 =	simm.s32 $0x17080  }
0x9a: {  	[tilespmem:s22], [sflag:$0x3] =	stream.indirect_vreg.gather [hbm4b:s10+s12], $0x80, v3, vm0, $0xb8;
	[tilespmem:$0x18080] =	vst v63  }
0x9b: {  	s23 =	simm.s32 $0x17880  }
0x9c: {  	[tilespmem:s23], [sflag:$0x3] =	stream.indirect_vreg.gather [hbm4b:s11+s12], $0x80, v3, vm0, $0xb8;
	[tilespmem:$0x18080] =	vst v63  }
0x9d: {  	_ =	swait.ge [sflag:s29], $0x8000  }
0x9e: {  	s21 =	simm.s32 $0x8480;
	[sflag:s29] =	ssyncset.done $0x0  }
0x9f: {  	s22 =	simm.s32 $0x8080;
	s23 =	sadd.s32 $0x0, s14;
	[sflag:s29] =	ssyncadd.s32 $0xFFFF8000  }
0xa0: {  	[hbm4b:s23+s26] =	stream.strided.scatter [tilespmem:s22], [sflag:$0x5], $0x400, s28, s26, $0x38;
	[tilespmem:$0x18080] =	vst v63  }
0xa1: {  	s12 =	simm.s32 $0x20;
	s22 =	simm.s32 $0xC080;
	s23 =	sadd.s32 $0x1000, s23  }
.LBB2_4:
0xa2: {  	[hbm4b:s23+s26] =	stream.strided.scatter [tilespmem:s22], [sflag:$0x5], $0x400, s28, s26, $0x38;
	[tilespmem:$0x18080] =	vst v63  }
0xa3: {  	s22 =	smov.u32 s12;
	p0 =	sne.s32 s12, $0x1E0  }
.Ltmp1:
0xa4: {  	s12 =	sadd.s32 $0x20, s12;
	(pc) =	sbr.rel @p0 .LBB2_4-.Ltmp1, $4  }
0xa5: {  	_ = 	snop  }
0xa6: {  	s23 =	sadd.s32 s22, s14  }
0xa7: {  	[hbm4b:s23+s26] =	stream.strided.scatter [tilespmem:s21], [sflag:$0x5], $0x400, s28, s26, $0x38;
	[tilespmem:$0x18080] =	vst v63  }
0xa8: {  	s22 =	sadd.s32 $0x4000, s21;
	s23 =	sadd.s32 $0x1000, s23;
	s21 =	sadd.s32 $0x400, s21  }
0xa9: {  	[hbm4b:s23+s26] =	stream.strided.scatter [tilespmem:s22], [sflag:$0x5], $0x400, s28, s26, $0x38;
	[tilespmem:$0x18080] =	vst v63  }
0xaa: {  	_ =	swait.ge [sflag:s30], $0x8000  }
0xab: {  	[sflag:s30] =	ssyncset.done $0x0  }
0xac: {  	[sflag:s30] =	ssyncadd.s32 $0xFFFF8000  }
0xad: {  	v3 =	vld [tilespmem:$0x30];
	_ =	sdelay $0x4  }
0xae: {  	v4 =	vshll.u32 v3, $0x4  }
0xaf: {  	v3 =	vand.u32 $0x7, v3;
	v4 =	vand.u32 $0xFFFFFF80, v4  }
0xb0: {  	v3 =	vor.u32 v3, v4  }
0xb1: {  	v4 =	vperm.xlane v3, v0;
	_ =	sdelay $0x1  }
0xb2: {  	v4 =	vadd.s32 v1, v4;
	_ =	sdelay $0x3  }
0xb3: {  	s12 =	simm.s32 $0x0  }
0xb4: {  	[tilespmem:s26], [sflag:$0x1] =	stream.indirect_vreg.gather [hbm4b:s2+s12], $0x80, v4, vm0, $0xb8;
	[tilespmem:$0x18080] =	vst v63  }
0xb5: {  	s21 =	simm.s32 $0x880  }
0xb6: {  	[tilespmem:s21], [sflag:$0x1] =	stream.indirect_vreg.gather [hbm4b:s5+s12], $0x80, v4, vm0, $0xb8;
	[tilespmem:$0x18080] =	vst v63  }
0xb7: {  	s22 =	simm.s32 $0x1080  }
0xb8: {  	[tilespmem:s22], [sflag:$0x1] =	stream.indirect_vreg.gather [hbm4b:s6+s12], $0x80, v4, vm0, $0xb8;
	[tilespmem:$0x18080] =	vst v63  }
0xb9: {  	s23 =	simm.s32 $0x1880  }
0xba: {  	[tilespmem:s23], [sflag:$0x1] =	stream.indirect_vreg.gather [hbm4b:s7+s12], $0x80, v4, vm0, $0xb8;
	[tilespmem:$0x18080] =	vst v63  }
0xbb: {  	s22 =	simm.s32 $0x2080  }
0xbc: {  	[tilespmem:s22], [sflag:$0x1] =	stream.indirect_vreg.gather [hbm4b:s8+s12], $0x80, v4, vm0, $0xb8;
	[tilespmem:$0x18080] =	vst v63  }
0xbd: {  	v3 =	vperm.xlane v3, v2;
	s23 =	simm.s32 $0x2880  }
0xbe: {  	[tilespmem:s23], [sflag:$0x1] =	stream.indirect_vreg.gather [hbm4b:s9+s12], $0x80, v4, vm0, $0xb8;
	[tilespmem:$0x18080] =	vst v63  }
0xbf: {  	v3 =	vadd.s32 v1, v3;
	s22 =	simm.s32 $0x3080  }
0xc0: {  	[tilespmem:s22], [sflag:$0x1] =	stream.indirect_vreg.gather [hbm4b:s10+s12], $0x80, v4, vm0, $0xb8;
	[tilespmem:$0x18080] =	vst v63  }
0xc1: {  	s23 =	simm.s32 $0x3880  }
0xc2: {  	[tilespmem:s23], [sflag:$0x1] =	stream.indirect_vreg.gather [hbm4b:s11+s12], $0x80, v4, vm0, $0xb8;
	[tilespmem:$0x18080] =	vst v63  }
0xc3: {  	s22 =	simm.s32 $0x4080  }
0xc4: {  	[tilespmem:s22], [sflag:$0x1] =	stream.indirect_vreg.gather [hbm4b:s2+s12], $0x80, v3, vm0, $0xb8;
	[tilespmem:$0x18080] =	vst v63  }
0xc5: {  	s23 =	simm.s32 $0x4880  }
0xc6: {  	[tilespmem:s23], [sflag:$0x1] =	stream.indirect_vreg.gather [hbm4b:s5+s12], $0x80, v3, vm0, $0xb8;
	[tilespmem:$0x18080] =	vst v63  }
0xc7: {  	s22 =	simm.s32 $0x5080  }
0xc8: {  	[tilespmem:s22], [sflag:$0x1] =	stream.indirect_vreg.gather [hbm4b:s6+s12], $0x80, v3, vm0, $0xb8;
	[tilespmem:$0x18080] =	vst v63  }
0xc9: {  	s23 =	simm.s32 $0x5880  }
0xca: {  	[tilespmem:s23], [sflag:$0x1] =	stream.indirect_vreg.gather [hbm4b:s7+s12], $0x80, v3, vm0, $0xb8;
	[tilespmem:$0x18080] =	vst v63  }
0xcb: {  	s22 =	simm.s32 $0x6080  }
0xcc: {  	[tilespmem:s22], [sflag:$0x1] =	stream.indirect_vreg.gather [hbm4b:s8+s12], $0x80, v3, vm0, $0xb8;
	[tilespmem:$0x18080] =	vst v63  }
0xcd: {  	s23 =	simm.s32 $0x6880  }
0xce: {  	[tilespmem:s23], [sflag:$0x1] =	stream.indirect_vreg.gather [hbm4b:s9+s12], $0x80, v3, vm0, $0xb8;
	[tilespmem:$0x18080] =	vst v63  }
0xcf: {  	s22 =	simm.s32 $0x7080  }
0xd0: {  	[tilespmem:s22], [sflag:$0x1] =	stream.indirect_vreg.gather [hbm4b:s10+s12], $0x80, v3, vm0, $0xb8;
	[tilespmem:$0x18080] =	vst v63  }
0xd1: {  	s23 =	simm.s32 $0x7880  }
0xd2: {  	[tilespmem:s23], [sflag:$0x1] =	stream.indirect_vreg.gather [hbm4b:s11+s12], $0x80, v3, vm0, $0xb8;
	[tilespmem:$0x18080] =	vst v63  }
0xd3: {  	_ =	swait.ge [sflag:s31], $0x8000  }
0xd4: {  	s21 =	simm.s32 $0x10480;
	[sflag:s31] =	ssyncset.done $0x0  }
0xd5: {  	s22 =	simm.s32 $0x10080;
	s23 =	sadd.s32 $0x0, s15;
	[sflag:s31] =	ssyncadd.s32 $0xFFFF8000  }
0xd6: {  	[hbm4b:s23+s26] =	stream.strided.scatter [tilespmem:s22], [sflag:$0x6], $0x400, s28, s26, $0x38;
	[tilespmem:$0x18080] =	vst v63  }
0xd7: {  	s12 =	simm.s32 $0x20;
	s22 =	simm.s32 $0x14080;
	s23 =	sadd.s32 $0x1000, s23  }
.LBB2_6:
0xd8: {  	[hbm4b:s23+s26] =	stream.strided.scatter [tilespmem:s22], [sflag:$0x6], $0x400, s28, s26, $0x38;
	[tilespmem:$0x18080] =	vst v63  }
0xd9: {  	s22 =	smov.u32 s12;
	p0 =	sne.s32 s12, $0x1E0  }
.Ltmp2:
0xda: {  	s12 =	sadd.s32 $0x20, s12;
	(pc) =	sbr.rel @p0 .LBB2_6-.Ltmp2, $4  }
0xdb: {  	_ = 	snop  }
0xdc: {  	s23 =	sadd.s32 s22, s15  }
0xdd: {  	[hbm4b:s23+s26] =	stream.strided.scatter [tilespmem:s21], [sflag:$0x6], $0x400, s28, s26, $0x38;
	[tilespmem:$0x18080] =	vst v63  }
0xde: {  	s22 =	sadd.s32 $0x4000, s21;
	s23 =	sadd.s32 $0x1000, s23;
	s21 =	sadd.s32 $0x400, s21  }
0xdf: {  	[hbm4b:s23+s26] =	stream.strided.scatter [tilespmem:s22], [sflag:$0x6], $0x400, s28, s26, $0x38;
	[tilespmem:$0x18080] =	vst v63  }
0xe0: {  	_ =	swait.ge [sflag:s0], $0x8000  }
0xe1: {  	[sflag:s0] =	ssyncset.done $0x0  }
0xe2: {  	[sflag:s0] =	ssyncadd.s32 $0xFFFF8000  }
0xe3: {  	v3 =	vld [tilespmem:$0x40];
	_ =	sdelay $0x4  }
0xe4: {  	v4 =	vshll.u32 v3, $0x4  }
0xe5: {  	v3 =	vand.u32 $0x7, v3;
	v4 =	vand.u32 $0xFFFFFF80, v4  }
0xe6: {  	v3 =	vor.u32 v3, v4  }
0xe7: {  	v4 =	vperm.xlane v3, v0;
	_ =	sdelay $0x1  }
0xe8: {  	v4 =	vadd.s32 v1, v4;
	_ =	sdelay $0x3  }
0xe9: {  	s12 =	simm.s32 $0x0;
	s21 =	simm.s32 $0x8080  }
0xea: {  	[tilespmem:s21], [sflag:$0x2] =	stream.indirect_vreg.gather [hbm4b:s2+s12], $0x80, v4, vm0, $0xb8;
	[tilespmem:$0x18080] =	vst v63  }
0xeb: {  	s22 =	simm.s32 $0x8880  }
0xec: {  	[tilespmem:s22], [sflag:$0x2] =	stream.indirect_vreg.gather [hbm4b:s5+s12], $0x80, v4, vm0, $0xb8;
	[tilespmem:$0x18080] =	vst v63  }
0xed: {  	s23 =	simm.s32 $0x9080  }
0xee: {  	[tilespmem:s23], [sflag:$0x2] =	stream.indirect_vreg.gather [hbm4b:s6+s12], $0x80, v4, vm0, $0xb8;
	[tilespmem:$0x18080] =	vst v63  }
0xef: {  	s22 =	simm.s32 $0x9880  }
0xf0: {  	[tilespmem:s22], [sflag:$0x2] =	stream.indirect_vreg.gather [hbm4b:s7+s12], $0x80, v4, vm0, $0xb8;
	[tilespmem:$0x18080] =	vst v63  }
0xf1: {  	s23 =	simm.s32 $0xA080  }
0xf2: {  	[tilespmem:s23], [sflag:$0x2] =	stream.indirect_vreg.gather [hbm4b:s8+s12], $0x80, v4, vm0, $0xb8;
	[tilespmem:$0x18080] =	vst v63  }
0xf3: {  	v3 =	vperm.xlane v3, v2;
	s22 =	simm.s32 $0xA880  }
0xf4: {  	[tilespmem:s22], [sflag:$0x2] =	stream.indirect_vreg.gather [hbm4b:s9+s12], $0x80, v4, vm0, $0xb8;
	[tilespmem:$0x18080] =	vst v63  }
0xf5: {  	v3 =	vadd.s32 v1, v3;
	s23 =	simm.s32 $0xB080  }
0xf6: {  	[tilespmem:s23], [sflag:$0x2] =	stream.indirect_vreg.gather [hbm4b:s10+s12], $0x80, v4, vm0, $0xb8;
	[tilespmem:$0x18080] =	vst v63  }
0xf7: {  	s22 =	simm.s32 $0xB880  }
0xf8: {  	[tilespmem:s22], [sflag:$0x2] =	stream.indirect_vreg.gather [hbm4b:s11+s12], $0x80, v4, vm0, $0xb8;
	[tilespmem:$0x18080] =	vst v63  }
0xf9: {  	s23 =	simm.s32 $0xC080  }
0xfa: {  	[tilespmem:s23], [sflag:$0x2] =	stream.indirect_vreg.gather [hbm4b:s2+s12], $0x80, v3, vm0, $0xb8;
	[tilespmem:$0x18080] =	vst v63  }
0xfb: {  	s22 =	simm.s32 $0xC880  }
0xfc: {  	[tilespmem:s22], [sflag:$0x2] =	stream.indirect_vreg.gather [hbm4b:s5+s12], $0x80, v3, vm0, $0xb8;
	[tilespmem:$0x18080] =	vst v63  }
0xfd: {  	s23 =	simm.s32 $0xD080  }
0xfe: {  	[tilespmem:s23], [sflag:$0x2] =	stream.indirect_vreg.gather [hbm4b:s6+s12], $0x80, v3, vm0, $0xb8;
	[tilespmem:$0x18080] =	vst v63  }
0xff: {  	s22 =	simm.s32 $0xD880  }
0x100: {  	[tilespmem:s22], [sflag:$0x2] =	stream.indirect_vreg.gather [hbm4b:s7+s12], $0x80, v3, vm0, $0xb8;
	[tilespmem:$0x18080] =	vst v63  }
0x101: {  	s23 =	simm.s32 $0xE080  }
0x102: {  	[tilespmem:s23], [sflag:$0x2] =	stream.indirect_vreg.gather [hbm4b:s8+s12], $0x80, v3, vm0, $0xb8;
	[tilespmem:$0x18080] =	vst v63  }
0x103: {  	s22 =	simm.s32 $0xE880  }
0x104: {  	[tilespmem:s22], [sflag:$0x2] =	stream.indirect_vreg.gather [hbm4b:s9+s12], $0x80, v3, vm0, $0xb8;
	[tilespmem:$0x18080] =	vst v63  }
0x105: {  	s23 =	simm.s32 $0xF080  }
0x106: {  	[tilespmem:s23], [sflag:$0x2] =	stream.indirect_vreg.gather [hbm4b:s10+s12], $0x80, v3, vm0, $0xb8;
	[tilespmem:$0x18080] =	vst v63  }
0x107: {  	_ = 	snop  }
0x108: {  	[tilespmem:s24], [sflag:$0x2] =	stream.indirect_vreg.gather [hbm4b:s11+s12], $0x80, v3, vm0, $0xb8;
	[tilespmem:$0x18080] =	vst v63  }
0x109: {  	_ =	swait.ge [sflag:s25], $0x8000  }
0x10a: {  	s21 =	simm.s32 $0x480;
	[sflag:s25] =	ssyncset.done $0x0  }
0x10b: {  	s22 =	simm.s32 $0x80;
	s23 =	sadd.s32 $0x0, s16;
	[sflag:s25] =	ssyncadd.s32 $0xFFFF8000  }
0x10c: {  	[hbm4b:s23+s26] =	stream.strided.scatter [tilespmem:s22], [sflag:$0x4], $0x400, s28, s26, $0x38;
	[tilespmem:$0x18080] =	vst v63  }
0x10d: {  	s12 =	simm.s32 $0x20;
	s22 =	simm.s32 $0x4080;
	s23 =	sadd.s32 $0x1000, s23  }
.LBB2_8:
0x10e: {  	[hbm4b:s23+s26] =	stream.strided.scatter [tilespmem:s22], [sflag:$0x4], $0x400, s28, s26, $0x38;
	[tilespmem:$0x18080] =	vst v63  }
0x10f: {  	s22 =	smov.u32 s12;
	p0 =	sne.s32 s12, $0x1E0  }
.Ltmp3:
0x110: {  	s12 =	sadd.s32 $0x20, s12;
	(pc) =	sbr.rel @p0 .LBB2_8-.Ltmp3, $4  }
0x111: {  	_ = 	snop  }
0x112: {  	s23 =	sadd.s32 s22, s16  }
0x113: {  	[hbm4b:s23+s26] =	stream.strided.scatter [tilespmem:s21], [sflag:$0x4], $0x400, s28, s26, $0x38;
	[tilespmem:$0x18080] =	vst v63  }
0x114: {  	s22 =	sadd.s32 $0x4000, s21;
	s23 =	sadd.s32 $0x1000, s23;
	s21 =	sadd.s32 $0x400, s21  }
0x115: {  	[hbm4b:s23+s26] =	stream.strided.scatter [tilespmem:s22], [sflag:$0x4], $0x400, s28, s26, $0x38;
	[tilespmem:$0x18080] =	vst v63  }
0x116: {  	_ =	swait.ge [sflag:s1], $0x8000  }
0x117: {  	[sflag:s1] =	ssyncset.done $0x0  }
0x118: {  	[sflag:s1] =	ssyncadd.s32 $0xFFFF8000  }
0x119: {  	v3 =	vld [tilespmem:$0x50];
	_ =	sdelay $0x4  }
0x11a: {  	v4 =	vshll.u32 v3, $0x4  }
0x11b: {  	v3 =	vand.u32 $0x7, v3;
	v4 =	vand.u32 $0xFFFFFF80, v4  }
0x11c: {  	v3 =	vor.u32 v3, v4  }
0x11d: {  	v4 =	vperm.xlane v3, v0;
	_ =	sdelay $0x1  }
0x11e: {  	v4 =	vadd.s32 v1, v4;
	_ =	sdelay $0x3  }
0x11f: {  	s12 =	simm.s32 $0x0;
	s21 =	simm.s32 $0x10080  }
0x120: {  	[tilespmem:s21], [sflag:$0x3] =	stream.indirect_vreg.gather [hbm4b:s2+s12], $0x80, v4, vm0, $0xb8;
	[tilespmem:$0x18080] =	vst v63  }
0x121: {  	s23 =	simm.s32 $0x10880  }
0x122: {  	[tilespmem:s23], [sflag:$0x3] =	stream.indirect_vreg.gather [hbm4b:s5+s12], $0x80, v4, vm0, $0xb8;
	[tilespmem:$0x18080] =	vst v63  }
0x123: {  	s22 =	simm.s32 $0x11080  }
0x124: {  	[tilespmem:s22], [sflag:$0x3] =	stream.indirect_vreg.gather [hbm4b:s6+s12], $0x80, v4, vm0, $0xb8;
	[tilespmem:$0x18080] =	vst v63  }
0x125: {  	s23 =	simm.s32 $0x11880  }
0x126: {  	[tilespmem:s23], [sflag:$0x3] =	stream.indirect_vreg.gather [hbm4b:s7+s12], $0x80, v4, vm0, $0xb8;
	[tilespmem:$0x18080] =	vst v63  }
0x127: {  	s22 =	simm.s32 $0x12080  }
0x128: {  	[tilespmem:s22], [sflag:$0x3] =	stream.indirect_vreg.gather [hbm4b:s8+s12], $0x80, v4, vm0, $0xb8;
	[tilespmem:$0x18080] =	vst v63  }
0x129: {  	v3 =	vperm.xlane v3, v2;
	s23 =	simm.s32 $0x12880  }
0x12a: {  	[tilespmem:s23], [sflag:$0x3] =	stream.indirect_vreg.gather [hbm4b:s9+s12], $0x80, v4, vm0, $0xb8;
	[tilespmem:$0x18080] =	vst v63  }
0x12b: {  	v3 =	vadd.s32 v1, v3;
	s22 =	simm.s32 $0x13080  }
0x12c: {  	[tilespmem:s22], [sflag:$0x3] =	stream.indirect_vreg.gather [hbm4b:s10+s12], $0x80, v4, vm0, $0xb8;
	[tilespmem:$0x18080] =	vst v63  }
0x12d: {  	s23 =	simm.s32 $0x13880  }
0x12e: {  	[tilespmem:s23], [sflag:$0x3] =	stream.indirect_vreg.gather [hbm4b:s11+s12], $0x80, v4, vm0, $0xb8;
	[tilespmem:$0x18080] =	vst v63  }
0x12f: {  	s22 =	simm.s32 $0x14080  }
0x130: {  	[tilespmem:s22], [sflag:$0x3] =	stream.indirect_vreg.gather [hbm4b:s2+s12], $0x80, v3, vm0, $0xb8;
	[tilespmem:$0x18080] =	vst v63  }
0x131: {  	s23 =	simm.s32 $0x14880  }
0x132: {  	[tilespmem:s23], [sflag:$0x3] =	stream.indirect_vreg.gather [hbm4b:s5+s12], $0x80, v3, vm0, $0xb8;
	[tilespmem:$0x18080] =	vst v63  }
0x133: {  	s22 =	simm.s32 $0x15080  }
0x134: {  	[tilespmem:s22], [sflag:$0x3] =	stream.indirect_vreg.gather [hbm4b:s6+s12], $0x80, v3, vm0, $0xb8;
	[tilespmem:$0x18080] =	vst v63  }
0x135: {  	s23 =	simm.s32 $0x15880  }
0x136: {  	[tilespmem:s23], [sflag:$0x3] =	stream.indirect_vreg.gather [hbm4b:s7+s12], $0x80, v3, vm0, $0xb8;
	[tilespmem:$0x18080] =	vst v63  }
0x137: {  	s22 =	simm.s32 $0x16080  }
0x138: {  	[tilespmem:s22], [sflag:$0x3] =	stream.indirect_vreg.gather [hbm4b:s8+s12], $0x80, v3, vm0, $0xb8;
	[tilespmem:$0x18080] =	vst v63  }
0x139: {  	s23 =	simm.s32 $0x16880  }
0x13a: {  	[tilespmem:s23], [sflag:$0x3] =	stream.indirect_vreg.gather [hbm4b:s9+s12], $0x80, v3, vm0, $0xb8;
	[tilespmem:$0x18080] =	vst v63  }
0x13b: {  	s22 =	simm.s32 $0x17080  }
0x13c: {  	[tilespmem:s22], [sflag:$0x3] =	stream.indirect_vreg.gather [hbm4b:s10+s12], $0x80, v3, vm0, $0xb8;
	[tilespmem:$0x18080] =	vst v63  }
0x13d: {  	s23 =	simm.s32 $0x17880  }
0x13e: {  	[tilespmem:s23], [sflag:$0x3] =	stream.indirect_vreg.gather [hbm4b:s11+s12], $0x80, v3, vm0, $0xb8;
	[tilespmem:$0x18080] =	vst v63  }
0x13f: {  	_ =	swait.ge [sflag:s29], $0x8000  }
0x140: {  	s21 =	simm.s32 $0x8480;
	[sflag:s29] =	ssyncset.done $0x0  }
0x141: {  	s22 =	simm.s32 $0x8080;
	s23 =	sadd.s32 $0x0, s17;
	[sflag:s29] =	ssyncadd.s32 $0xFFFF8000  }
0x142: {  	[hbm4b:s23+s26] =	stream.strided.scatter [tilespmem:s22], [sflag:$0x5], $0x400, s28, s26, $0x38;
	[tilespmem:$0x18080] =	vst v63  }
0x143: {  	s12 =	simm.s32 $0x20;
	s22 =	simm.s32 $0xC080;
	s23 =	sadd.s32 $0x1000, s23  }
.LBB2_10:
0x144: {  	[hbm4b:s23+s26] =	stream.strided.scatter [tilespmem:s22], [sflag:$0x5], $0x400, s28, s26, $0x38;
	[tilespmem:$0x18080] =	vst v63  }
0x145: {  	s22 =	smov.u32 s12;
	p0 =	sne.s32 s12, $0x1E0  }
.Ltmp4:
0x146: {  	s12 =	sadd.s32 $0x20, s12;
	(pc) =	sbr.rel @p0 .LBB2_10-.Ltmp4, $4  }
0x147: {  	_ = 	snop  }
0x148: {  	s23 =	sadd.s32 s22, s17  }
0x149: {  	[hbm4b:s23+s26] =	stream.strided.scatter [tilespmem:s21], [sflag:$0x5], $0x400, s28, s26, $0x38;
	[tilespmem:$0x18080] =	vst v63  }
0x14a: {  	s22 =	sadd.s32 $0x4000, s21;
	s23 =	sadd.s32 $0x1000, s23;
	s21 =	sadd.s32 $0x400, s21  }
0x14b: {  	[hbm4b:s23+s26] =	stream.strided.scatter [tilespmem:s22], [sflag:$0x5], $0x400, s28, s26, $0x38;
	[tilespmem:$0x18080] =	vst v63  }
0x14c: {  	_ =	swait.ge [sflag:s30], $0x8000  }
0x14d: {  	[sflag:s30] =	ssyncset.done $0x0  }
0x14e: {  	[sflag:s30] =	ssyncadd.s32 $0xFFFF8000  }
0x14f: {  	v3 =	vld [tilespmem:$0x60];
	_ =	sdelay $0x4  }
0x150: {  	v4 =	vshll.u32 v3, $0x4  }
0x151: {  	v3 =	vand.u32 $0x7, v3;
	v4 =	vand.u32 $0xFFFFFF80, v4  }
0x152: {  	v3 =	vor.u32 v3, v4  }
0x153: {  	v4 =	vperm.xlane v3, v0;
	_ =	sdelay $0x1  }
0x154: {  	v4 =	vadd.s32 v1, v4;
	_ =	sdelay $0x3  }
0x155: {  	s12 =	simm.s32 $0x0  }
0x156: {  	[tilespmem:s26], [sflag:$0x1] =	stream.indirect_vreg.gather [hbm4b:s2+s12], $0x80, v4, vm0, $0xb8;
	[tilespmem:$0x18080] =	vst v63  }
0x157: {  	s21 =	simm.s32 $0x880  }
0x158: {  	[tilespmem:s21], [sflag:$0x1] =	stream.indirect_vreg.gather [hbm4b:s5+s12], $0x80, v4, vm0, $0xb8;
	[tilespmem:$0x18080] =	vst v63  }
0x159: {  	s22 =	simm.s32 $0x1080  }
0x15a: {  	[tilespmem:s22], [sflag:$0x1] =	stream.indirect_vreg.gather [hbm4b:s6+s12], $0x80, v4, vm0, $0xb8;
	[tilespmem:$0x18080] =	vst v63  }
0x15b: {  	s23 =	simm.s32 $0x1880  }
0x15c: {  	[tilespmem:s23], [sflag:$0x1] =	stream.indirect_vreg.gather [hbm4b:s7+s12], $0x80, v4, vm0, $0xb8;
	[tilespmem:$0x18080] =	vst v63  }
0x15d: {  	s22 =	simm.s32 $0x2080  }
0x15e: {  	[tilespmem:s22], [sflag:$0x1] =	stream.indirect_vreg.gather [hbm4b:s8+s12], $0x80, v4, vm0, $0xb8;
	[tilespmem:$0x18080] =	vst v63  }
0x15f: {  	v3 =	vperm.xlane v3, v2;
	s23 =	simm.s32 $0x2880  }
0x160: {  	[tilespmem:s23], [sflag:$0x1] =	stream.indirect_vreg.gather [hbm4b:s9+s12], $0x80, v4, vm0, $0xb8;
	[tilespmem:$0x18080] =	vst v63  }
0x161: {  	v3 =	vadd.s32 v1, v3;
	s22 =	simm.s32 $0x3080  }
0x162: {  	[tilespmem:s22], [sflag:$0x1] =	stream.indirect_vreg.gather [hbm4b:s10+s12], $0x80, v4, vm0, $0xb8;
	[tilespmem:$0x18080] =	vst v63  }
0x163: {  	s23 =	simm.s32 $0x3880  }
0x164: {  	[tilespmem:s23], [sflag:$0x1] =	stream.indirect_vreg.gather [hbm4b:s11+s12], $0x80, v4, vm0, $0xb8;
	[tilespmem:$0x18080] =	vst v63  }
0x165: {  	s22 =	simm.s32 $0x4080  }
0x166: {  	[tilespmem:s22], [sflag:$0x1] =	stream.indirect_vreg.gather [hbm4b:s2+s12], $0x80, v3, vm0, $0xb8;
	[tilespmem:$0x18080] =	vst v63  }
0x167: {  	s23 =	simm.s32 $0x4880  }
0x168: {  	[tilespmem:s23], [sflag:$0x1] =	stream.indirect_vreg.gather [hbm4b:s5+s12], $0x80, v3, vm0, $0xb8;
	[tilespmem:$0x18080] =	vst v63  }
0x169: {  	s22 =	simm.s32 $0x5080  }
0x16a: {  	[tilespmem:s22], [sflag:$0x1] =	stream.indirect_vreg.gather [hbm4b:s6+s12], $0x80, v3, vm0, $0xb8;
	[tilespmem:$0x18080] =	vst v63  }
0x16b: {  	s23 =	simm.s32 $0x5880  }
0x16c: {  	[tilespmem:s23], [sflag:$0x1] =	stream.indirect_vreg.gather [hbm4b:s7+s12], $0x80, v3, vm0, $0xb8;
	[tilespmem:$0x18080] =	vst v63  }
0x16d: {  	s22 =	simm.s32 $0x6080  }
0x16e: {  	[tilespmem:s22], [sflag:$0x1] =	stream.indirect_vreg.gather [hbm4b:s8+s12], $0x80, v3, vm0, $0xb8;
	[tilespmem:$0x18080] =	vst v63  }
0x16f: {  	s23 =	simm.s32 $0x6880  }
0x170: {  	[tilespmem:s23], [sflag:$0x1] =	stream.indirect_vreg.gather [hbm4b:s9+s12], $0x80, v3, vm0, $0xb8;
	[tilespmem:$0x18080] =	vst v63  }
0x171: {  	s22 =	simm.s32 $0x7080  }
0x172: {  	[tilespmem:s22], [sflag:$0x1] =	stream.indirect_vreg.gather [hbm4b:s10+s12], $0x80, v3, vm0, $0xb8;
	[tilespmem:$0x18080] =	vst v63  }
0x173: {  	s23 =	simm.s32 $0x7880  }
0x174: {  	[tilespmem:s23], [sflag:$0x1] =	stream.indirect_vreg.gather [hbm4b:s11+s12], $0x80, v3, vm0, $0xb8;
	[tilespmem:$0x18080] =	vst v63  }
0x175: {  	_ =	swait.ge [sflag:s31], $0x8000  }
0x176: {  	s21 =	simm.s32 $0x10480;
	[sflag:s31] =	ssyncset.done $0x0  }
0x177: {  	s22 =	simm.s32 $0x10080;
	s23 =	sadd.s32 $0x0, s18;
	[sflag:s31] =	ssyncadd.s32 $0xFFFF8000  }
0x178: {  	[hbm4b:s23+s26] =	stream.strided.scatter [tilespmem:s22], [sflag:$0x6], $0x400, s28, s26, $0x38;
	[tilespmem:$0x18080] =	vst v63  }
0x179: {  	s12 =	simm.s32 $0x20;
	s22 =	simm.s32 $0x14080;
	s23 =	sadd.s32 $0x1000, s23  }
.LBB2_12:
0x17a: {  	[hbm4b:s23+s26] =	stream.strided.scatter [tilespmem:s22], [sflag:$0x6], $0x400, s28, s26, $0x38;
	[tilespmem:$0x18080] =	vst v63  }
0x17b: {  	s22 =	smov.u32 s12;
	p0 =	sne.s32 s12, $0x1E0  }
.Ltmp5:
0x17c: {  	s12 =	sadd.s32 $0x20, s12;
	(pc) =	sbr.rel @p0 .LBB2_12-.Ltmp5, $4  }
0x17d: {  	_ = 	snop  }
0x17e: {  	s23 =	sadd.s32 s22, s18  }
0x17f: {  	[hbm4b:s23+s26] =	stream.strided.scatter [tilespmem:s21], [sflag:$0x6], $0x400, s28, s26, $0x38;
	[tilespmem:$0x18080] =	vst v63  }
0x180: {  	s22 =	sadd.s32 $0x4000, s21;
	s23 =	sadd.s32 $0x1000, s23;
	s21 =	sadd.s32 $0x400, s21  }
0x181: {  	[hbm4b:s23+s26] =	stream.strided.scatter [tilespmem:s22], [sflag:$0x6], $0x400, s28, s26, $0x38;
	[tilespmem:$0x18080] =	vst v63  }
0x182: {  	_ =	swait.ge [sflag:s0], $0x8000  }
0x183: {  	[sflag:s0] =	ssyncset.done $0x0  }
0x184: {  	[sflag:s0] =	ssyncadd.s32 $0xFFFF8000  }
0x185: {  	v3 =	vld [tilespmem:$0x70];
	_ =	sdelay $0x4  }
0x186: {  	v4 =	vshll.u32 v3, $0x4  }
0x187: {  	v3 =	vand.u32 $0x7, v3;
	v4 =	vand.u32 $0xFFFFFF80, v4  }
0x188: {  	v3 =	vor.u32 v3, v4  }
0x189: {  	v4 =	vperm.xlane v3, v0;
	_ =	sdelay $0x1  }
0x18a: {  	v4 =	vadd.s32 v1, v4;
	_ =	sdelay $0x3  }
0x18b: {  	s12 =	simm.s32 $0x0;
	s21 =	simm.s32 $0x8080  }
0x18c: {  	[tilespmem:s21], [sflag:$0x2] =	stream.indirect_vreg.gather [hbm4b:s2+s12], $0x80, v4, vm0, $0xb8;
	[tilespmem:$0x18080] =	vst v63  }
0x18d: {  	s22 =	simm.s32 $0x8880  }
0x18e: {  	[tilespmem:s22], [sflag:$0x2] =	stream.indirect_vreg.gather [hbm4b:s5+s12], $0x80, v4, vm0, $0xb8;
	[tilespmem:$0x18080] =	vst v63  }
0x18f: {  	s23 =	simm.s32 $0x9080  }
0x190: {  	[tilespmem:s23], [sflag:$0x2] =	stream.indirect_vreg.gather [hbm4b:s6+s12], $0x80, v4, vm0, $0xb8;
	[tilespmem:$0x18080] =	vst v63  }
0x191: {  	s22 =	simm.s32 $0x9880  }
0x192: {  	[tilespmem:s22], [sflag:$0x2] =	stream.indirect_vreg.gather [hbm4b:s7+s12], $0x80, v4, vm0, $0xb8;
	[tilespmem:$0x18080] =	vst v63  }
0x193: {  	s23 =	simm.s32 $0xA080  }
0x194: {  	[tilespmem:s23], [sflag:$0x2] =	stream.indirect_vreg.gather [hbm4b:s8+s12], $0x80, v4, vm0, $0xb8;
	[tilespmem:$0x18080] =	vst v63  }
0x195: {  	v3 =	vperm.xlane v3, v2;
	s22 =	simm.s32 $0xA880  }
0x196: {  	[tilespmem:s22], [sflag:$0x2] =	stream.indirect_vreg.gather [hbm4b:s9+s12], $0x80, v4, vm0, $0xb8;
	[tilespmem:$0x18080] =	vst v63  }
0x197: {  	v3 =	vadd.s32 v1, v3;
	s23 =	simm.s32 $0xB080  }
0x198: {  	[tilespmem:s23], [sflag:$0x2] =	stream.indirect_vreg.gather [hbm4b:s10+s12], $0x80, v4, vm0, $0xb8;
	[tilespmem:$0x18080] =	vst v63  }
0x199: {  	s22 =	simm.s32 $0xB880  }
0x19a: {  	[tilespmem:s22], [sflag:$0x2] =	stream.indirect_vreg.gather [hbm4b:s11+s12], $0x80, v4, vm0, $0xb8;
	[tilespmem:$0x18080] =	vst v63  }
0x19b: {  	s23 =	simm.s32 $0xC080  }
0x19c: {  	[tilespmem:s23], [sflag:$0x2] =	stream.indirect_vreg.gather [hbm4b:s2+s12], $0x80, v3, vm0, $0xb8;
	[tilespmem:$0x18080] =	vst v63  }
0x19d: {  	s22 =	simm.s32 $0xC880  }
0x19e: {  	[tilespmem:s22], [sflag:$0x2] =	stream.indirect_vreg.gather [hbm4b:s5+s12], $0x80, v3, vm0, $0xb8;
	[tilespmem:$0x18080] =	vst v63  }
0x19f: {  	s23 =	simm.s32 $0xD080  }
0x1a0: {  	[tilespmem:s23], [sflag:$0x2] =	stream.indirect_vreg.gather [hbm4b:s6+s12], $0x80, v3, vm0, $0xb8;
	[tilespmem:$0x18080] =	vst v63  }
0x1a1: {  	s22 =	simm.s32 $0xD880  }
0x1a2: {  	[tilespmem:s22], [sflag:$0x2] =	stream.indirect_vreg.gather [hbm4b:s7+s12], $0x80, v3, vm0, $0xb8;
	[tilespmem:$0x18080] =	vst v63  }
0x1a3: {  	s23 =	simm.s32 $0xE080  }
0x1a4: {  	[tilespmem:s23], [sflag:$0x2] =	stream.indirect_vreg.gather [hbm4b:s8+s12], $0x80, v3, vm0, $0xb8;
	[tilespmem:$0x18080] =	vst v63  }
0x1a5: {  	s22 =	simm.s32 $0xE880  }
0x1a6: {  	[tilespmem:s22], [sflag:$0x2] =	stream.indirect_vreg.gather [hbm4b:s9+s12], $0x80, v3, vm0, $0xb8;
	[tilespmem:$0x18080] =	vst v63  }
0x1a7: {  	s23 =	simm.s32 $0xF080  }
0x1a8: {  	[tilespmem:s23], [sflag:$0x2] =	stream.indirect_vreg.gather [hbm4b:s10+s12], $0x80, v3, vm0, $0xb8;
	[tilespmem:$0x18080] =	vst v63  }
0x1a9: {  	_ = 	snop  }
0x1aa: {  	[tilespmem:s24], [sflag:$0x2] =	stream.indirect_vreg.gather [hbm4b:s11+s12], $0x80, v3, vm0, $0xb8;
	[tilespmem:$0x18080] =	vst v63  }
0x1ab: {  	_ =	swait.ge [sflag:s25], $0x8000  }
0x1ac: {  	s21 =	simm.s32 $0x480;
	[sflag:s25] =	ssyncset.done $0x0  }
0x1ad: {  	s22 =	simm.s32 $0x80;
	s23 =	sadd.s32 $0x0, s19;
	[sflag:s25] =	ssyncadd.s32 $0xFFFF8000  }
0x1ae: {  	[hbm4b:s23+s26] =	stream.strided.scatter [tilespmem:s22], [sflag:$0x4], $0x400, s28, s26, $0x38;
	[tilespmem:$0x18080] =	vst v63  }
0x1af: {  	s12 =	simm.s32 $0x20;
	s22 =	simm.s32 $0x4080;
	s23 =	sadd.s32 $0x1000, s23  }
.LBB2_14:
0x1b0: {  	[hbm4b:s23+s26] =	stream.strided.scatter [tilespmem:s22], [sflag:$0x4], $0x400, s28, s26, $0x38;
	[tilespmem:$0x18080] =	vst v63  }
0x1b1: {  	s22 =	smov.u32 s12;
	p0 =	sne.s32 s12, $0x1E0  }
.Ltmp6:
0x1b2: {  	s12 =	sadd.s32 $0x20, s12;
	(pc) =	sbr.rel @p0 .LBB2_14-.Ltmp6, $4  }
0x1b3: {  	_ = 	snop  }
0x1b4: {  	s23 =	sadd.s32 s22, s19  }
0x1b5: {  	[hbm4b:s23+s26] =	stream.strided.scatter [tilespmem:s21], [sflag:$0x4], $0x400, s28, s26, $0x38;
	[tilespmem:$0x18080] =	vst v63  }
0x1b6: {  	s22 =	sadd.s32 $0x4000, s21;
	s23 =	sadd.s32 $0x1000, s23;
	s21 =	sadd.s32 $0x400, s21  }
0x1b7: {  	[hbm4b:s23+s26] =	stream.strided.scatter [tilespmem:s22], [sflag:$0x4], $0x400, s28, s26, $0x38;
	[tilespmem:$0x18080] =	vst v63  }
0x1b8: {  	_ =	swait.ge [sflag:s29], $0x8000  }
0x1b9: {  	s12 =	simm.s32 $0x8080;
	[sflag:s29] =	ssyncset.done $0x0  }
0x1ba: {  	s21 =	sadd.s32 $0x0, s20;
	s22 =	simm.s32 $0xC080;
	[sflag:s29] =	ssyncadd.s32 $0xFFFF8000  }
0x1bb: {  	[hbm4b:s21+s26] =	stream.strided.scatter [tilespmem:s12], [sflag:$0x5], $0x400, s28, s26, $0x38;
	[tilespmem:$0x18080] =	vst v63  }
0x1bc: {  	s23 =	sadd.s32 $0x1000, s21;
	s12 =	simm.s32 $0x20;
	s21 =	simm.s32 $0x8480  }
.LBB2_16:
0x1bd: {  	[hbm4b:s23+s26] =	stream.strided.scatter [tilespmem:s22], [sflag:$0x5], $0x400, s28, s26, $0x38;
	[tilespmem:$0x18080] =	vst v63  }
0x1be: {  	s22 =	smov.u32 s12;
	p0 =	sne.s32 s12, $0x1E0  }
.Ltmp7:
0x1bf: {  	s12 =	sadd.s32 $0x20, s12;
	(pc) =	sbr.rel @p0 .LBB2_16-.Ltmp7, $4  }
0x1c0: {  	_ = 	snop  }
0x1c1: {  	s23 =	sadd.s32 s22, s20  }
0x1c2: {  	[hbm4b:s23+s26] =	stream.strided.scatter [tilespmem:s21], [sflag:$0x5], $0x400, s28, s26, $0x38;
	[tilespmem:$0x18080] =	vst v63  }
0x1c3: {  	s22 =	sadd.s32 $0x4000, s21;
	s23 =	sadd.s32 $0x1000, s23;
	s21 =	sadd.s32 $0x400, s21  }
0x1c4: {  	[hbm4b:s23+s26] =	stream.strided.scatter [tilespmem:s22], [sflag:$0x5], $0x400, s28, s26, $0x38;
	[tilespmem:$0x18080] =	vst v63  }
0x1c5: {  	_ =	swait.ge [sflag:s30], $0x8000  }
0x1c6: {  	[sflag:s30] =	ssyncset.done $0x0  }
0x1c7: {  	[sflag:s30] =	ssyncadd.s32 $0xFFFF8000  }
0x1c8: {  	_ =	swait.ge [sflag:s0], $0x8000  }
0x1c9: {  	[sflag:s0] =	ssyncset.done $0x0  }
0x1ca: {  	[sflag:s0] =	ssyncadd.s32 $0xFFFF8000  }
0x1cb: {  	_ =	swait.ge [sflag:s1], $0x8000  }
0x1cc: {  	s4 =	sadd.s32 $0x1, s4;
	s12 =	rddreg [dreg:$0x5]  }
0x1cd: {  	p0 =	sne.s32 s4, s12  }
.Ltmp8:
0x1ce: {  	_ = 	snop;
	(pc) =	sbr.rel @p0 .LBB2_1-.Ltmp8, $3  }
0x1cf: {  	_ =	sdelay $0x1  }
0x1d0: {  	[sflag:s1] =	ssyncset.done $0x0  }
0x1d1: {  	[sflag:s1] =	ssyncadd.s32 $0xFFFF8000  }
0x1d2: {  	_ =	sfence.sel $0x180000  }
0x1d3: {  	[bflag:$0x0] =	sbarrier.arrive $0xFFFF  }
0x1d4: {  	_ =	strace $0x90000047  }
0x1d5: {  	s0 =	stileid.u32;
	[bflag:$0x2] =	sbarrier.arrive $0xFFFF  }
0x1d6: {  	p0 =	sne.s32 s0, $0x0;
	s0 =	rddreg [dreg:$0x3]  }
0x1d7: {  	s0 =	sadd.s32 @!p0 $0x100000, s0  }
0x1d8: {  	[sflag:s0] =	ssyncadd.tile.s32 @!p0 $0x1;
	_ =	shalt  }
.Lfunc_end2:
_tile_overlayer_lowered:
.L_overlay_start_2:
0x1d9: {  	(tag) =	ssettag $0x2  }
0x1da: {  	s0 =	rddreg [dreg:$0x0];
	s2 =	stileid.u32  }
0x1db: {  	s1 =	rddreg [dreg:$0x1];
	p0 =	sne.s32 s2, $0x0  }
0x1dc: {  	s3 =	rddreg [dreg:$0x2];
	[bflag:$0x3] =	sbarrier.arrive $0xFFFF;
	s2 =	simm.s32 @!p0 $0x1C07  }
0x1dd: {  	[timem:s3], [sflag:s2] =	dma.local @!p0 [hbm:s0], s1  }
0x1de: {  	s0 =	simm.s32 @!p0 $0x7  }
0x1df: {  	_ =	swait.ge @!p0 [sflag:s0], s1  }
0x1e0: {  	s1 =	ssub.s32 @!p0 $0x0, s1;
	[sflag:s0] =	ssyncset.done @!p0 $0x0  }
0x1e1: {  	[sflag:s0] =	ssyncadd.s32 @!p0 s1  }
0x1e2: {  	[bflag:$0x3] =	sbarrier.arrive $0xFFFF  }
0x1e3: {  	_ =	shalt  }

</sc_bundles>
